<compile_context>
chip_gen: v7x
topology: tpu7x:2x2x1
jax: 0.10.2.dev20260603
libtpu: 0.0.44.dev20260713+nightly
codegen_flags: <defaults>
</compile_context>

<pallas_src>
import functools

import jax
import jax.numpy as jnp
from jax import lax
from jax.experimental import pallas as pl
from jax.experimental.pallas import tpu as pltpu
from jax.experimental.pallas import tpu_sc as plsc

_D = 128
_P = 32
_NC = 2
_NS = 16
_NW = _NC * _NS
_BT = 128


def _emb_gather(idxT, tab):
    s_len, b_total = idxT.shape
    n_btiles = b_total // _BT
    n_sgroups = _NW // n_btiles
    s_per_w = s_len // n_sgroups
    mesh = plsc.VectorSubcoreMesh(core_axis_name="c", subcore_axis_name="s")

    @functools.partial(
        pl.kernel,
        out_type=jax.ShapeDtypeStruct((s_len, n_btiles, _BT, _D), jnp.float32),
        mesh=mesh,
        scratch_types=[
            pltpu.VMEM((s_per_w, _BT), jnp.int32),
            pltpu.VMEM((_BT, _D), jnp.float32),
            pltpu.VMEM((_BT, _D), jnp.float32),
            pltpu.SemaphoreType.DMA,
            pltpu.SemaphoreType.DMA,
            pltpu.SemaphoreType.DMA,
            pltpu.SemaphoreType.DMA,
            pltpu.SemaphoreType.DMA,
        ],
    )
    def body(idx_hbm, tab_hbm, out_hbm, idx_all,
             word_v0, word_v1, sg0, sg1, sw0, sw1, si):
        word_v = (word_v0, word_v1)
        sg = (sg0, sg1)
        sw = (sw0, sw1)

        wid = lax.axis_index("s") * _NC + lax.axis_index("c")
        bt = wid % n_btiles
        b0 = pl.multiple_of(bt * _BT, _BT)
        s0 = (wid // n_btiles) * s_per_w

        def start_inputs(i, slot):
            pltpu.async_copy(tab_hbm.at[idx_all.at[i]], word_v[slot], sg[slot])

        def wait_inputs(slot):
            pltpu.make_async_copy(
                tab_hbm.at[idx_all.at[0]], word_v[slot], sg[slot]).wait()

        def start_writes(i, slot):
            pltpu.async_copy(word_v[slot], out_hbm.at[s0 + i, bt], sw[slot])

        def wait_writes(slot):
            pltpu.make_async_copy(
                word_v[slot], out_hbm.at[0, 0], sw[slot]).wait()

        def step(i, slot, first=False, last=False):
            if not first:
                wait_writes(1 - slot)
            if not last:
                start_inputs(i + 1, 1 - slot)
            wait_inputs(slot)
            start_writes(i, slot)

        def stage(i, carry):
            pltpu.async_copy(
                idx_hbm.at[s0 + i, pl.ds(b0, _BT)], idx_all.at[i], si)
            return carry
        lax.fori_loop(0, s_per_w, stage, 0)

        def drain(i, carry):
            pltpu.make_async_copy(
                idx_hbm.at[0, pl.ds(0, _BT)], idx_all.at[0], si).wait()
            return carry
        lax.fori_loop(0, s_per_w, drain, 0)

        start_inputs(0, 0)
        step(0, 0, first=True)
        step(1, 1)

        def pair(j, carry):
            step(2 * j, 0)
            step(2 * j + 1, 1)
            return carry

        lax.fori_loop(1, s_per_w // 2 - 1, pair, 0)

        step(s_per_w - 2, 0)
        step(s_per_w - 1, 1, last=True)
        wait_writes(1)

    return body(idxT, tab)


def kernel(token_ids, pos_onehot, W):
    b, s = token_ids.shape
    idxT = token_ids.T.astype(jnp.int32)
    w4 = _emb_gather(idxT, W)
    word = jnp.transpose(w4, (1, 2, 0, 3)).reshape(b, s, _D)
    return jnp.concatenate([word, pos_onehot.astype(jnp.float32)], axis=-1)

# --- scband reference (transcript-rebuilt; emitter-appended) ---
"""Pipeline reference for scband-ptfembedding-171798692517 (READ-ONLY COPY).

The authoritative reference and input builder live on the scoring server;
editing this copy changes nothing except your own understanding.
"""

import jax, jax.numpy as jnp
import numpy as np

VOCAB = 100000
WORD2VEC_DIM = 128
POS_DIM = 32
B = 1024
S = 200


def setup_inputs(seed: int = 0) -> dict:
    key = jax.random.key(seed)
    k1, k2, k3 = jax.random.split(key, 3)
    token_ids = jax.random.randint(k1, (B, S), 0, VOCAB)
    pos_onehot = jax.random.uniform(k3, (B, S, POS_DIM), dtype=jnp.float32)
    # learned embedding table (padding_idx=0 row zeroed, as nn.Embedding does)
    W = jax.random.normal(k2, (VOCAB, WORD2VEC_DIM), dtype=jnp.float32)
    W = W.at[0].set(0.0)
    return {"token_ids": token_ids, "pos_onehot": pos_onehot, "W": W}


def reference(token_ids, pos_onehot, W):
    # word_vecs = self.word_embed(token_ids)  (gather -> SparseCore)
    word_vecs = jnp.take(W, token_ids, axis=0)
    # dropout is identity in eval mode
    pos_vecs = pos_onehot.astype(jnp.float32)
    combined = jnp.concatenate([word_vecs, pos_vecs], axis=-1)
    return combined

if __name__ == "__main__":
    import jax
    _d = setup_inputs()
    print(jax.jit(kernel)(*tuple(_d.values())))

</pallas_src>

<mosaic_0001>
#map = affine_map<(d0, d1) -> (0, 0)>
#map1 = affine_map<(d0, d1) -> (0, 0, 0, 0)>
module attributes {stable_mosaic.version = 14 : i64} {
  func.func @body(%arg0: i32, %arg1: i32, %arg2: memref<200x1024xi32, #tpu.memory_space<hbm>>, %arg3: memref<100000x128xf32, #tpu.memory_space<hbm>>, %arg4: memref<200x8x128x128xf32, #tpu.memory_space<hbm>>, %arg5: memref<50x128xi32, #tpu.memory_space<vmem>>, %arg6: memref<128x128xf32, #tpu.memory_space<vmem>>, %arg7: memref<128x128xf32, #tpu.memory_space<vmem>>, %arg8: memref<!tpu.dma_semaphore, #tpu.memory_space<semaphore_mem>>, %arg9: memref<!tpu.dma_semaphore, #tpu.memory_space<semaphore_mem>>, %arg10: memref<!tpu.dma_semaphore, #tpu.memory_space<semaphore_mem>>, %arg11: memref<!tpu.dma_semaphore, #tpu.memory_space<semaphore_mem>>, %arg12: memref<!tpu.dma_semaphore, #tpu.memory_space<semaphore_mem>>) attributes {dimension_semantics = [#tpu.dimension_semantics<core_parallel>, #tpu.dimension_semantics<subcore_parallel>], iteration_bounds = array<i64: 2, 16>, scalar_prefetch = 0 : i64, scratch_operands = 8 : i64, tpu.core_type = #tpu.core_type<sc_vector_subcore>, window_params = [{transform_indices = #map}, {transform_indices = #map}, {transform_indices = #map1}]} {
    %mul3A = arith.constant 2 : i32
    %mul3A_0 = arith.muli %arg1, %mul3A : i32
    %add3A = arith.addi %mul3A_0, %arg0 : i32
    %jit3A = arith.constant 8 : i32
    %eq3A = arith.constant 0 : i32
    %eq3A_1 = arith.cmpi eq, %jit3A, %eq3A : i32
    %jit3A_2 = arith.constant 1 : i32
    %select_n3A = arith.select %eq3A_1, %jit3A_2, %jit3A : i32
    %rem3A = arith.remsi %add3A, %select_n3A : i32
    %ne3A = arith.constant 0 : i32
    %ne3A_3 = arith.cmpi ne, %rem3A, %ne3A : i32
    %lt3A = arith.constant 0 : i32
    %lt3A_4 = arith.cmpi slt, %rem3A, %lt3A : i32
    %lt3A_5 = arith.constant 0 : i32
    %lt3A_6 = arith.cmpi slt, %select_n3A, %lt3A_5 : i32
    %ne3A_7 = arith.xori %lt3A_4, %lt3A_6 : i1
    %and3A = arith.andi %ne3A_7, %ne3A_3 : i1
    %add3A_8 = arith.addi %rem3A, %select_n3A : i32
    %select_n3A_9 = arith.select %and3A, %add3A_8, %rem3A : i32
    %mul3A_10 = arith.constant 128 : i32
    %mul3A_11 = arith.muli %select_n3A_9, %mul3A_10 : i32
    %multiple_of3A = tpu.assume_multiple %mul3A_11, 128 : i32
    %jit3A_12 = arith.constant 8 : i32
    %div3A = arith.divsi %add3A, %jit3A_12 : i32
    %sign3A = arith.constant 0 : i32
    %sign3A_13 = arith.cmpi sgt, %add3A, %sign3A : i32
    %sign3A_14 = arith.extui %sign3A_13 : i1 to i32
    %sign3A_15 = arith.constant 0 : i32
    %sign3A_16 = arith.cmpi slt, %add3A, %sign3A_15 : i32
    %sign3A_17 = arith.extui %sign3A_16 : i1 to i32
    %sign3A_18 = arith.subi %sign3A_14, %sign3A_17 : i32
    %sign3A_19 = arith.constant 0 : i32
    %sign3A_20 = arith.cmpi sgt, %jit3A_12, %sign3A_19 : i32
    %sign3A_21 = arith.extui %sign3A_20 : i1 to i32
    %sign3A_22 = arith.constant 0 : i32
    %sign3A_23 = arith.cmpi slt, %jit3A_12, %sign3A_22 : i32
    %sign3A_24 = arith.extui %sign3A_23 : i1 to i32
    %sign3A_25 = arith.subi %sign3A_21, %sign3A_24 : i32
    %ne3A_26 = arith.cmpi ne, %sign3A_18, %sign3A_25 : i32
    %rem3A_27 = arith.remsi %add3A, %jit3A_12 : i32
    %ne3A_28 = arith.constant 0 : i32
    %ne3A_29 = arith.cmpi ne, %rem3A_27, %ne3A_28 : i32
    %and3A_30 = arith.andi %ne3A_26, %ne3A_29 : i1
    %sub3A = arith.constant 1 : i32
    %sub3A_31 = arith.subi %div3A, %sub3A : i32
    %select_n3A_32 = arith.select %and3A_30, %sub3A_31, %div3A : i32
    %mul3A_33 = arith.constant 50 : i32
    %mul3A_34 = arith.muli %select_n3A_32, %mul3A_33 : i32
    %scan3A = arith.constant 0 : i32
    %scan3A_35 = arith.constant 0 : i32
    %scan3A_36 = arith.constant 50 : i32
    %scan3A_37 = arith.addi %scan3A_35, %scan3A_36 : i32
    %scan3A_38 = arith.constant 1 : i32
    scf.for %scan3A_186 = %scan3A_35 to %scan3A_37 step %scan3A_38  : i32 {
      %add3A_187 = arith.addi %mul3A_34, %scan3A_186 : i32
      %dma_start3A_188 = arith.constant 0 : i32
      %dma_start3A_189 = tpu.memref_slice %arg5[%scan3A_186, %dma_start3A_188] : memref<50x128xi32, #tpu.memory_space<vmem>> -> memref<1x128xi32, #tpu.memory_space<vmem>>
      %dma_start3A_190 = tpu.memref_squeeze %dma_start3A_189 : memref<1x128xi32, #tpu.memory_space<vmem>> -> memref<128xi32, #tpu.memory_space<vmem>>
      %dma_start3A_191 = tpu.memref_slice %arg2[%add3A_187, %multiple_of3A] : memref<200x1024xi32, #tpu.memory_space<hbm>> -> memref<1x128xi32, #tpu.memory_space<hbm>>
      %dma_start3A_192 = tpu.memref_squeeze %dma_start3A_191 : memref<1x128xi32, #tpu.memory_space<hbm>> -> memref<128xi32, #tpu.memory_space<hbm>>
      %dma_start3A_193 = arith.constant 0 : i32
      %dma_start3A_194 = tpu.memref_slice %arg5[%scan3A_186, %dma_start3A_193] : memref<50x128xi32, #tpu.memory_space<vmem>> -> memref<1x128xi32, #tpu.memory_space<vmem>>
      %dma_start3A_195 = tpu.memref_squeeze %dma_start3A_194 : memref<1x128xi32, #tpu.memory_space<vmem>> -> memref<128xi32, #tpu.memory_space<vmem>>
      %dma_start3A_196 = tpu.memref_slice %arg2[%add3A_187, %multiple_of3A] : memref<200x1024xi32, #tpu.memory_space<hbm>> -> memref<1x128xi32, #tpu.memory_space<hbm>>
      %dma_start3A_197 = tpu.memref_squeeze %dma_start3A_196 : memref<1x128xi32, #tpu.memory_space<hbm>> -> memref<128xi32, #tpu.memory_space<hbm>>
      tpu.enqueue_dma source(%dma_start3A_197 : memref<128xi32, #tpu.memory_space<hbm>>) target(%dma_start3A_195 : memref<128xi32, #tpu.memory_space<vmem>>) target_semaphore(%arg12 : memref<!tpu.dma_semaphore, #tpu.memory_space<semaphore_mem>>)
    }
    %scan3A_39 = arith.constant 50 : i32
    %scan3A_40 = arith.constant 0 : i32
    %scan3A_41 = arith.constant 0 : i32
    %scan3A_42 = arith.constant 50 : i32
    %scan3A_43 = arith.addi %scan3A_41, %scan3A_42 : i32
    %scan3A_44 = arith.constant 1 : i32
    scf.for %scan3A_186 = %scan3A_41 to %scan3A_43 step %scan3A_44  : i32 {
      %dma_wait3A_187 = arith.constant 0 : i32
      %dma_wait3A_188 = arith.constant 0 : i32
      %dma_wait3A_189 = arith.constant 0 : i32
      %dma_wait3A_190 = tpu.memref_slice %arg5[%dma_wait3A_188, %dma_wait3A_189] : memref<50x128xi32, #tpu.memory_space<vmem>> -> memref<1x128xi32, #tpu.memory_space<vmem>>
      %dma_wait3A_191 = tpu.memref_squeeze %dma_wait3A_190 : memref<1x128xi32, #tpu.memory_space<vmem>> -> memref<128xi32, #tpu.memory_space<vmem>>
      %dma_wait3A_192 = arith.constant 0 : i32
      %dma_wait3A_193 = tpu.memref_slice %arg2[%dma_wait3A_187, %dma_wait3A_192] : memref<200x1024xi32, #tpu.memory_space<hbm>> -> memref<1x128xi32, #tpu.memory_space<hbm>>
      %dma_wait3A_194 = tpu.memref_squeeze %dma_wait3A_193 : memref<1x128xi32, #tpu.memory_space<hbm>> -> memref<128xi32, #tpu.memory_space<hbm>>
      %dma_wait3A_195 = arith.constant 0 : i32
      %dma_wait3A_196 = tpu.memref_slice %arg5[%dma_wait3A_188, %dma_wait3A_195] : memref<50x128xi32, #tpu.memory_space<vmem>> -> memref<1x128xi32, #tpu.memory_space<vmem>>
      %dma_wait3A_197 = tpu.memref_squeeze %dma_wait3A_196 : memref<1x128xi32, #tpu.memory_space<vmem>> -> memref<128xi32, #tpu.memory_space<vmem>>
      %dma_wait3A_198 = arith.constant 0 : i32
      %dma_wait3A_199 = tpu.memref_slice %arg2[%dma_wait3A_187, %dma_wait3A_198] : memref<200x1024xi32, #tpu.memory_space<hbm>> -> memref<1x128xi32, #tpu.memory_space<hbm>>
      %dma_wait3A_200 = tpu.memref_squeeze %dma_wait3A_199 : memref<1x128xi32, #tpu.memory_space<hbm>> -> memref<128xi32, #tpu.memory_space<hbm>>
      tpu.wait_dma2 semaphore(%arg12 : memref<!tpu.dma_semaphore, #tpu.memory_space<semaphore_mem>>) src(%dma_wait3A_200 : memref<128xi32, #tpu.memory_space<hbm>>) dst(%dma_wait3A_197 : memref<128xi32, #tpu.memory_space<vmem>>)
    }
    %scan3A_45 = arith.constant 50 : i32
    %dma_start3A = arith.constant 0 : i32
    %dma_start3A_46 = arith.constant 0 : i32
    %dma_start3A_47 = tpu.memref_slice %arg5[%dma_start3A, %dma_start3A_46] : memref<50x128xi32, #tpu.memory_space<vmem>> -> memref<1x128xi32, #tpu.memory_space<vmem>>
    %dma_start3A_48 = tpu.memref_squeeze %dma_start3A_47 : memref<1x128xi32, #tpu.memory_space<vmem>> -> memref<128xi32, #tpu.memory_space<vmem>>
    %dma_start3A_49 = arith.constant 0 : i32
    %dma_start3A_50 = arith.constant 0 : i32
    %dma_start3A_51 = tpu.memref_slice %arg3[%dma_start3A_49, %dma_start3A_50] : memref<100000x128xf32, #tpu.memory_space<hbm>> -> memref<100000x128xf32, #tpu.memory_space<hbm>>
    tpu.enqueue_indirect_dma source(%dma_start3A_51 : memref<100000x128xf32, #tpu.memory_space<hbm>>) target(%arg6 : memref<128x128xf32, #tpu.memory_space<vmem>>) offsets(%dma_start3A_48 : memref<128xi32, #tpu.memory_space<vmem>>) semaphore(%arg8 : memref<!tpu.dma_semaphore, #tpu.memory_space<semaphore_mem>>)
    %dma_start3A_52 = arith.constant 1 : i32
    %dma_start3A_53 = arith.constant 0 : i32
    %dma_start3A_54 = tpu.memref_slice %arg5[%dma_start3A_52, %dma_start3A_53] : memref<50x128xi32, #tpu.memory_space<vmem>> -> memref<1x128xi32, #tpu.memory_space<vmem>>
    %dma_start3A_55 = tpu.memref_squeeze %dma_start3A_54 : memref<1x128xi32, #tpu.memory_space<vmem>> -> memref<128xi32, #tpu.memory_space<vmem>>
    %dma_start3A_56 = arith.constant 0 : i32
    %dma_start3A_57 = arith.constant 0 : i32
    %dma_start3A_58 = tpu.memref_slice %arg3[%dma_start3A_56, %dma_start3A_57] : memref<100000x128xf32, #tpu.memory_space<hbm>> -> memref<100000x128xf32, #tpu.memory_space<hbm>>
    tpu.enqueue_indirect_dma source(%dma_start3A_58 : memref<100000x128xf32, #tpu.memory_space<hbm>>) target(%arg7 : memref<128x128xf32, #tpu.memory_space<vmem>>) offsets(%dma_start3A_55 : memref<128xi32, #tpu.memory_space<vmem>>) semaphore(%arg9 : memref<!tpu.dma_semaphore, #tpu.memory_space<semaphore_mem>>)
    %dma_wait3A = arith.constant 0 : i32
    %dma_wait3A_59 = arith.constant 0 : i32
    %dma_wait3A_60 = tpu.memref_slice %arg5[%dma_wait3A, %dma_wait3A_59] : memref<50x128xi32, #tpu.memory_space<vmem>> -> memref<1x128xi32, #tpu.memory_space<vmem>>
    %dma_wait3A_61 = tpu.memref_squeeze %dma_wait3A_60 : memref<1x128xi32, #tpu.memory_space<vmem>> -> memref<128xi32, #tpu.memory_space<vmem>>
    %dma_wait3A_62 = arith.constant 0 : i32
    %dma_wait3A_63 = arith.constant 0 : i32
    %dma_wait3A_64 = tpu.memref_slice %arg3[%dma_wait3A_62, %dma_wait3A_63] : memref<100000x128xf32, #tpu.memory_space<hbm>> -> memref<100000x128xf32, #tpu.memory_space<hbm>>
    tpu.wait_indirect_dma semaphore(%arg8 : memref<!tpu.dma_semaphore, #tpu.memory_space<semaphore_mem>>) src(%dma_wait3A_64 : memref<100000x128xf32, #tpu.memory_space<hbm>>) dst(%arg6 : memref<128x128xf32, #tpu.memory_space<vmem>>)
    %add3A_65 = arith.constant 0 : i32
    %add3A_66 = arith.addi %mul3A_34, %add3A_65 : i32
    %dma_start3A_67 = arith.constant 0 : i32
    %dma_start3A_68 = arith.constant 0 : i32
    %dma_start3A_69 = tpu.memref_slice %arg4[%add3A_66, %select_n3A_9, %dma_start3A_67, %dma_start3A_68] : memref<200x8x128x128xf32, #tpu.memory_space<hbm>> -> memref<1x1x128x128xf32, #tpu.memory_space<hbm>>
    %dma_start3A_70 = tpu.memref_squeeze %dma_start3A_69 : memref<1x1x128x128xf32, #tpu.memory_space<hbm>> -> memref<128x128xf32, #tpu.memory_space<hbm>>
    %dma_start3A_71 = arith.constant 0 : i32
    %dma_start3A_72 = arith.constant 0 : i32
    %dma_start3A_73 = tpu.memref_slice %arg4[%add3A_66, %select_n3A_9, %dma_start3A_71, %dma_start3A_72] : memref<200x8x128x128xf32, #tpu.memory_space<hbm>> -> memref<1x1x128x128xf32, #tpu.memory_space<hbm>>
    %dma_start3A_74 = tpu.memref_squeeze %dma_start3A_73 : memref<1x1x128x128xf32, #tpu.memory_space<hbm>> -> memref<128x128xf32, #tpu.memory_space<hbm>>
    tpu.enqueue_dma source(%arg6 : memref<128x128xf32, #tpu.memory_space<vmem>>) target(%dma_start3A_74 : memref<128x128xf32, #tpu.memory_space<hbm>>) target_semaphore(%arg10 : memref<!tpu.dma_semaphore, #tpu.memory_space<semaphore_mem>>)
    %dma_wait3A_75 = arith.constant 0 : i32
    %dma_wait3A_76 = arith.constant 0 : i32
    %dma_wait3A_77 = arith.constant 0 : i32
    %dma_wait3A_78 = arith.constant 0 : i32
    %dma_wait3A_79 = tpu.memref_slice %arg4[%dma_wait3A_75, %dma_wait3A_76, %dma_wait3A_77, %dma_wait3A_78] : memref<200x8x128x128xf32, #tpu.memory_space<hbm>> -> memref<1x1x128x128xf32, #tpu.memory_space<hbm>>
    %dma_wait3A_80 = tpu.memref_squeeze %dma_wait3A_79 : memref<1x1x128x128xf32, #tpu.memory_space<hbm>> -> memref<128x128xf32, #tpu.memory_space<hbm>>
    %dma_wait3A_81 = arith.constant 0 : i32
    %dma_wait3A_82 = arith.constant 0 : i32
    %dma_wait3A_83 = tpu.memref_slice %arg4[%dma_wait3A_75, %dma_wait3A_76, %dma_wait3A_81, %dma_wait3A_82] : memref<200x8x128x128xf32, #tpu.memory_space<hbm>> -> memref<1x1x128x128xf32, #tpu.memory_space<hbm>>
    %dma_wait3A_84 = tpu.memref_squeeze %dma_wait3A_83 : memref<1x1x128x128xf32, #tpu.memory_space<hbm>> -> memref<128x128xf32, #tpu.memory_space<hbm>>
    tpu.wait_dma2 semaphore(%arg10 : memref<!tpu.dma_semaphore, #tpu.memory_space<semaphore_mem>>) src(%arg6 : memref<128x128xf32, #tpu.memory_space<vmem>>) dst(%dma_wait3A_84 : memref<128x128xf32, #tpu.memory_space<hbm>>)
    %dma_start3A_85 = arith.constant 2 : i32
    %dma_start3A_86 = arith.constant 0 : i32
    %dma_start3A_87 = tpu.memref_slice %arg5[%dma_start3A_85, %dma_start3A_86] : memref<50x128xi32, #tpu.memory_space<vmem>> -> memref<1x128xi32, #tpu.memory_space<vmem>>
    %dma_start3A_88 = tpu.memref_squeeze %dma_start3A_87 : memref<1x128xi32, #tpu.memory_space<vmem>> -> memref<128xi32, #tpu.memory_space<vmem>>
    %dma_start3A_89 = arith.constant 0 : i32
    %dma_start3A_90 = arith.constant 0 : i32
    %dma_start3A_91 = tpu.memref_slice %arg3[%dma_start3A_89, %dma_start3A_90] : memref<100000x128xf32, #tpu.memory_space<hbm>> -> memref<100000x128xf32, #tpu.memory_space<hbm>>
    tpu.enqueue_indirect_dma source(%dma_start3A_91 : memref<100000x128xf32, #tpu.memory_space<hbm>>) target(%arg6 : memref<128x128xf32, #tpu.memory_space<vmem>>) offsets(%dma_start3A_88 : memref<128xi32, #tpu.memory_space<vmem>>) semaphore(%arg8 : memref<!tpu.dma_semaphore, #tpu.memory_space<semaphore_mem>>)
    %dma_wait3A_92 = arith.constant 0 : i32
    %dma_wait3A_93 = arith.constant 0 : i32
    %dma_wait3A_94 = tpu.memref_slice %arg5[%dma_wait3A_92, %dma_wait3A_93] : memref<50x128xi32, #tpu.memory_space<vmem>> -> memref<1x128xi32, #tpu.memory_space<vmem>>
    %dma_wait3A_95 = tpu.memref_squeeze %dma_wait3A_94 : memref<1x128xi32, #tpu.memory_space<vmem>> -> memref<128xi32, #tpu.memory_space<vmem>>
    %dma_wait3A_96 = arith.constant 0 : i32
    %dma_wait3A_97 = arith.constant 0 : i32
    %dma_wait3A_98 = tpu.memref_slice %arg3[%dma_wait3A_96, %dma_wait3A_97] : memref<100000x128xf32, #tpu.memory_space<hbm>> -> memref<100000x128xf32, #tpu.memory_space<hbm>>
    tpu.wait_indirect_dma semaphore(%arg9 : memref<!tpu.dma_semaphore, #tpu.memory_space<semaphore_mem>>) src(%dma_wait3A_98 : memref<100000x128xf32, #tpu.memory_space<hbm>>) dst(%arg7 : memref<128x128xf32, #tpu.memory_space<vmem>>)
    %add3A_99 = arith.constant 1 : i32
    %add3A_100 = arith.addi %mul3A_34, %add3A_99 : i32
    %dma_start3A_101 = arith.constant 0 : i32
    %dma_start3A_102 = arith.constant 0 : i32
    %dma_start3A_103 = tpu.memref_slice %arg4[%add3A_100, %select_n3A_9, %dma_start3A_101, %dma_start3A_102] : memref<200x8x128x128xf32, #tpu.memory_space<hbm>> -> memref<1x1x128x128xf32, #tpu.memory_space<hbm>>
    %dma_start3A_104 = tpu.memref_squeeze %dma_start3A_103 : memref<1x1x128x128xf32, #tpu.memory_space<hbm>> -> memref<128x128xf32, #tpu.memory_space<hbm>>
    %dma_start3A_105 = arith.constant 0 : i32
    %dma_start3A_106 = arith.constant 0 : i32
    %dma_start3A_107 = tpu.memref_slice %arg4[%add3A_100, %select_n3A_9, %dma_start3A_105, %dma_start3A_106] : memref<200x8x128x128xf32, #tpu.memory_space<hbm>> -> memref<1x1x128x128xf32, #tpu.memory_space<hbm>>
    %dma_start3A_108 = tpu.memref_squeeze %dma_start3A_107 : memref<1x1x128x128xf32, #tpu.memory_space<hbm>> -> memref<128x128xf32, #tpu.memory_space<hbm>>
    tpu.enqueue_dma source(%arg7 : memref<128x128xf32, #tpu.memory_space<vmem>>) target(%dma_start3A_108 : memref<128x128xf32, #tpu.memory_space<hbm>>) target_semaphore(%arg11 : memref<!tpu.dma_semaphore, #tpu.memory_space<semaphore_mem>>)
    %scan3A_109 = arith.constant 0 : i32
    %scan3A_110 = arith.constant 1 : i32
    %scan3A_111 = arith.constant 23 : i32
    %scan3A_112 = arith.addi %scan3A_110, %scan3A_111 : i32
    %scan3A_113 = arith.constant 1 : i32
    scf.for %scan3A_186 = %scan3A_110 to %scan3A_112 step %scan3A_113  : i32 {
      %mul3A_187 = arith.constant 2 : i32
      %mul3A_188 = arith.muli %mul3A_187, %scan3A_186 : i32
      %dma_wait3A_189 = arith.constant 0 : i32
      %dma_wait3A_190 = arith.constant 0 : i32
      %dma_wait3A_191 = arith.constant 0 : i32
      %dma_wait3A_192 = arith.constant 0 : i32
      %dma_wait3A_193 = tpu.memref_slice %arg4[%dma_wait3A_189, %dma_wait3A_190, %dma_wait3A_191, %dma_wait3A_192] : memref<200x8x128x128xf32, #tpu.memory_space<hbm>> -> memref<1x1x128x128xf32, #tpu.memory_space<hbm>>
      %dma_wait3A_194 = tpu.memref_squeeze %dma_wait3A_193 : memref<1x1x128x128xf32, #tpu.memory_space<hbm>> -> memref<128x128xf32, #tpu.memory_space<hbm>>
      %dma_wait3A_195 = arith.constant 0 : i32
      %dma_wait3A_196 = arith.constant 0 : i32
      %dma_wait3A_197 = tpu.memref_slice %arg4[%dma_wait3A_189, %dma_wait3A_190, %dma_wait3A_195, %dma_wait3A_196] : memref<200x8x128x128xf32, #tpu.memory_space<hbm>> -> memref<1x1x128x128xf32, #tpu.memory_space<hbm>>
      %dma_wait3A_198 = tpu.memref_squeeze %dma_wait3A_197 : memref<1x1x128x128xf32, #tpu.memory_space<hbm>> -> memref<128x128xf32, #tpu.memory_space<hbm>>
      tpu.wait_dma2 semaphore(%arg11 : memref<!tpu.dma_semaphore, #tpu.memory_space<semaphore_mem>>) src(%arg7 : memref<128x128xf32, #tpu.memory_space<vmem>>) dst(%dma_wait3A_198 : memref<128x128xf32, #tpu.memory_space<hbm>>)
      %add3A_199 = arith.constant 1 : i32
      %add3A_200 = arith.addi %mul3A_188, %add3A_199 : i32
      %dma_start3A_201 = arith.constant 0 : i32
      %dma_start3A_202 = tpu.memref_slice %arg5[%add3A_200, %dma_start3A_201] : memref<50x128xi32, #tpu.memory_space<vmem>> -> memref<1x128xi32, #tpu.memory_space<vmem>>
      %dma_start3A_203 = tpu.memref_squeeze %dma_start3A_202 : memref<1x128xi32, #tpu.memory_space<vmem>> -> memref<128xi32, #tpu.memory_space<vmem>>
      %dma_start3A_204 = arith.constant 0 : i32
      %dma_start3A_205 = arith.constant 0 : i32
      %dma_start3A_206 = tpu.memref_slice %arg3[%dma_start3A_204, %dma_start3A_205] : memref<100000x128xf32, #tpu.memory_space<hbm>> -> memref<100000x128xf32, #tpu.memory_space<hbm>>
      tpu.enqueue_indirect_dma source(%dma_start3A_206 : memref<100000x128xf32, #tpu.memory_space<hbm>>) target(%arg7 : memref<128x128xf32, #tpu.memory_space<vmem>>) offsets(%dma_start3A_203 : memref<128xi32, #tpu.memory_space<vmem>>) semaphore(%arg9 : memref<!tpu.dma_semaphore, #tpu.memory_space<semaphore_mem>>)
      %dma_wait3A_207 = arith.constant 0 : i32
      %dma_wait3A_208 = arith.constant 0 : i32
      %dma_wait3A_209 = tpu.memref_slice %arg5[%dma_wait3A_207, %dma_wait3A_208] : memref<50x128xi32, #tpu.memory_space<vmem>> -> memref<1x128xi32, #tpu.memory_space<vmem>>
      %dma_wait3A_210 = tpu.memref_squeeze %dma_wait3A_209 : memref<1x128xi32, #tpu.memory_space<vmem>> -> memref<128xi32, #tpu.memory_space<vmem>>
      %dma_wait3A_211 = arith.constant 0 : i32
      %dma_wait3A_212 = arith.constant 0 : i32
      %dma_wait3A_213 = tpu.memref_slice %arg3[%dma_wait3A_211, %dma_wait3A_212] : memref<100000x128xf32, #tpu.memory_space<hbm>> -> memref<100000x128xf32, #tpu.memory_space<hbm>>
      tpu.wait_indirect_dma semaphore(%arg8 : memref<!tpu.dma_semaphore, #tpu.memory_space<semaphore_mem>>) src(%dma_wait3A_213 : memref<100000x128xf32, #tpu.memory_space<hbm>>) dst(%arg6 : memref<128x128xf32, #tpu.memory_space<vmem>>)
      %add3A_214 = arith.addi %mul3A_34, %mul3A_188 : i32
      %dma_start3A_215 = arith.constant 0 : i32
      %dma_start3A_216 = arith.constant 0 : i32
      %dma_start3A_217 = tpu.memref_slice %arg4[%add3A_214, %select_n3A_9, %dma_start3A_215, %dma_start3A_216] : memref<200x8x128x128xf32, #tpu.memory_space<hbm>> -> memref<1x1x128x128xf32, #tpu.memory_space<hbm>>
      %dma_start3A_218 = tpu.memref_squeeze %dma_start3A_217 : memref<1x1x128x128xf32, #tpu.memory_space<hbm>> -> memref<128x128xf32, #tpu.memory_space<hbm>>
      %dma_start3A_219 = arith.constant 0 : i32
      %dma_start3A_220 = arith.constant 0 : i32
      %dma_start3A_221 = tpu.memref_slice %arg4[%add3A_214, %select_n3A_9, %dma_start3A_219, %dma_start3A_220] : memref<200x8x128x128xf32, #tpu.memory_space<hbm>> -> memref<1x1x128x128xf32, #tpu.memory_space<hbm>>
      %dma_start3A_222 = tpu.memref_squeeze %dma_start3A_221 : memref<1x1x128x128xf32, #tpu.memory_space<hbm>> -> memref<128x128xf32, #tpu.memory_space<hbm>>
      tpu.enqueue_dma source(%arg6 : memref<128x128xf32, #tpu.memory_space<vmem>>) target(%dma_start3A_222 : memref<128x128xf32, #tpu.memory_space<hbm>>) target_semaphore(%arg10 : memref<!tpu.dma_semaphore, #tpu.memory_space<semaphore_mem>>)
      %mul3A_223 = arith.constant 2 : i32
      %mul3A_224 = arith.muli %mul3A_223, %scan3A_186 : i32
      %add3A_225 = arith.constant 1 : i32
      %add3A_226 = arith.addi %mul3A_224, %add3A_225 : i32
      %dma_wait3A_227 = arith.constant 0 : i32
      %dma_wait3A_228 = arith.constant 0 : i32
      %dma_wait3A_229 = arith.constant 0 : i32
      %dma_wait3A_230 = arith.constant 0 : i32
      %dma_wait3A_231 = tpu.memref_slice %arg4[%dma_wait3A_227, %dma_wait3A_228, %dma_wait3A_229, %dma_wait3A_230] : memref<200x8x128x128xf32, #tpu.memory_space<hbm>> -> memref<1x1x128x128xf32, #tpu.memory_space<hbm>>
      %dma_wait3A_232 = tpu.memref_squeeze %dma_wait3A_231 : memref<1x1x128x128xf32, #tpu.memory_space<hbm>> -> memref<128x128xf32, #tpu.memory_space<hbm>>
      %dma_wait3A_233 = arith.constant 0 : i32
      %dma_wait3A_234 = arith.constant 0 : i32
      %dma_wait3A_235 = tpu.memref_slice %arg4[%dma_wait3A_227, %dma_wait3A_228, %dma_wait3A_233, %dma_wait3A_234] : memref<200x8x128x128xf32, #tpu.memory_space<hbm>> -> memref<1x1x128x128xf32, #tpu.memory_space<hbm>>
      %dma_wait3A_236 = tpu.memref_squeeze %dma_wait3A_235 : memref<1x1x128x128xf32, #tpu.memory_space<hbm>> -> memref<128x128xf32, #tpu.memory_space<hbm>>
      tpu.wait_dma2 semaphore(%arg10 : memref<!tpu.dma_semaphore, #tpu.memory_space<semaphore_mem>>) src(%arg6 : memref<128x128xf32, #tpu.memory_space<vmem>>) dst(%dma_wait3A_236 : memref<128x128xf32, #tpu.memory_space<hbm>>)
      %add3A_237 = arith.constant 1 : i32
      %add3A_238 = arith.addi %add3A_226, %add3A_237 : i32
      %dma_start3A_239 = arith.constant 0 : i32
      %dma_start3A_240 = tpu.memref_slice %arg5[%add3A_238, %dma_start3A_239] : memref<50x128xi32, #tpu.memory_space<vmem>> -> memref<1x128xi32, #tpu.memory_space<vmem>>
      %dma_start3A_241 = tpu.memref_squeeze %dma_start3A_240 : memref<1x128xi32, #tpu.memory_space<vmem>> -> memref<128xi32, #tpu.memory_space<vmem>>
      %dma_start3A_242 = arith.constant 0 : i32
      %dma_start3A_243 = arith.constant 0 : i32
      %dma_start3A_244 = tpu.memref_slice %arg3[%dma_start3A_242, %dma_start3A_243] : memref<100000x128xf32, #tpu.memory_space<hbm>> -> memref<100000x128xf32, #tpu.memory_space<hbm>>
      tpu.enqueue_indirect_dma source(%dma_start3A_244 : memref<100000x128xf32, #tpu.memory_space<hbm>>) target(%arg6 : memref<128x128xf32, #tpu.memory_space<vmem>>) offsets(%dma_start3A_241 : memref<128xi32, #tpu.memory_space<vmem>>) semaphore(%arg8 : memref<!tpu.dma_semaphore, #tpu.memory_space<semaphore_mem>>)
      %dma_wait3A_245 = arith.constant 0 : i32
      %dma_wait3A_246 = arith.constant 0 : i32
      %dma_wait3A_247 = tpu.memref_slice %arg5[%dma_wait3A_245, %dma_wait3A_246] : memref<50x128xi32, #tpu.memory_space<vmem>> -> memref<1x128xi32, #tpu.memory_space<vmem>>
      %dma_wait3A_248 = tpu.memref_squeeze %dma_wait3A_247 : memref<1x128xi32, #tpu.memory_space<vmem>> -> memref<128xi32, #tpu.memory_space<vmem>>
      %dma_wait3A_249 = arith.constant 0 : i32
      %dma_wait3A_250 = arith.constant 0 : i32
      %dma_wait3A_251 = tpu.memref_slice %arg3[%dma_wait3A_249, %dma_wait3A_250] : memref<100000x128xf32, #tpu.memory_space<hbm>> -> memref<100000x128xf32, #tpu.memory_space<hbm>>
      tpu.wait_indirect_dma semaphore(%arg9 : memref<!tpu.dma_semaphore, #tpu.memory_space<semaphore_mem>>) src(%dma_wait3A_251 : memref<100000x128xf32, #tpu.memory_space<hbm>>) dst(%arg7 : memref<128x128xf32, #tpu.memory_space<vmem>>)
      %add3A_252 = arith.addi %mul3A_34, %add3A_226 : i32
      %dma_start3A_253 = arith.constant 0 : i32
      %dma_start3A_254 = arith.constant 0 : i32
      %dma_start3A_255 = tpu.memref_slice %arg4[%add3A_252, %select_n3A_9, %dma_start3A_253, %dma_start3A_254] : memref<200x8x128x128xf32, #tpu.memory_space<hbm>> -> memref<1x1x128x128xf32, #tpu.memory_space<hbm>>
      %dma_start3A_256 = tpu.memref_squeeze %dma_start3A_255 : memref<1x1x128x128xf32, #tpu.memory_space<hbm>> -> memref<128x128xf32, #tpu.memory_space<hbm>>
      %dma_start3A_257 = arith.constant 0 : i32
      %dma_start3A_258 = arith.constant 0 : i32
      %dma_start3A_259 = tpu.memref_slice %arg4[%add3A_252, %select_n3A_9, %dma_start3A_257, %dma_start3A_258] : memref<200x8x128x128xf32, #tpu.memory_space<hbm>> -> memref<1x1x128x128xf32, #tpu.memory_space<hbm>>
      %dma_start3A_260 = tpu.memref_squeeze %dma_start3A_259 : memref<1x1x128x128xf32, #tpu.memory_space<hbm>> -> memref<128x128xf32, #tpu.memory_space<hbm>>
      tpu.enqueue_dma source(%arg7 : memref<128x128xf32, #tpu.memory_space<vmem>>) target(%dma_start3A_260 : memref<128x128xf32, #tpu.memory_space<hbm>>) target_semaphore(%arg11 : memref<!tpu.dma_semaphore, #tpu.memory_space<semaphore_mem>>)
    }
    %scan3A_114 = arith.constant 23 : i32
    %dma_wait3A_115 = arith.constant 0 : i32
    %dma_wait3A_116 = arith.constant 0 : i32
    %dma_wait3A_117 = arith.constant 0 : i32
    %dma_wait3A_118 = arith.constant 0 : i32
    %dma_wait3A_119 = tpu.memref_slice %arg4[%dma_wait3A_115, %dma_wait3A_116, %dma_wait3A_117, %dma_wait3A_118] : memref<200x8x128x128xf32, #tpu.memory_space<hbm>> -> memref<1x1x128x128xf32, #tpu.memory_space<hbm>>
    %dma_wait3A_120 = tpu.memref_squeeze %dma_wait3A_119 : memref<1x1x128x128xf32, #tpu.memory_space<hbm>> -> memref<128x128xf32, #tpu.memory_space<hbm>>
    %dma_wait3A_121 = arith.constant 0 : i32
    %dma_wait3A_122 = arith.constant 0 : i32
    %dma_wait3A_123 = tpu.memref_slice %arg4[%dma_wait3A_115, %dma_wait3A_116, %dma_wait3A_121, %dma_wait3A_122] : memref<200x8x128x128xf32, #tpu.memory_space<hbm>> -> memref<1x1x128x128xf32, #tpu.memory_space<hbm>>
    %dma_wait3A_124 = tpu.memref_squeeze %dma_wait3A_123 : memref<1x1x128x128xf32, #tpu.memory_space<hbm>> -> memref<128x128xf32, #tpu.memory_space<hbm>>
    tpu.wait_dma2 semaphore(%arg11 : memref<!tpu.dma_semaphore, #tpu.memory_space<semaphore_mem>>) src(%arg7 : memref<128x128xf32, #tpu.memory_space<vmem>>) dst(%dma_wait3A_124 : memref<128x128xf32, #tpu.memory_space<hbm>>)
    %dma_start3A_125 = arith.constant 49 : i32
    %dma_start3A_126 = arith.constant 0 : i32
    %dma_start3A_127 = tpu.memref_slice %arg5[%dma_start3A_125, %dma_start3A_126] : memref<50x128xi32, #tpu.memory_space<vmem>> -> memref<1x128xi32, #tpu.memory_space<vmem>>
    %dma_start3A_128 = tpu.memref_squeeze %dma_start3A_127 : memref<1x128xi32, #tpu.memory_space<vmem>> -> memref<128xi32, #tpu.memory_space<vmem>>
    %dma_start3A_129 = arith.constant 0 : i32
    %dma_start3A_130 = arith.constant 0 : i32
    %dma_start3A_131 = tpu.memref_slice %arg3[%dma_start3A_129, %dma_start3A_130] : memref<100000x128xf32, #tpu.memory_space<hbm>> -> memref<100000x128xf32, #tpu.memory_space<hbm>>
    tpu.enqueue_indirect_dma source(%dma_start3A_131 : memref<100000x128xf32, #tpu.memory_space<hbm>>) target(%arg7 : memref<128x128xf32, #tpu.memory_space<vmem>>) offsets(%dma_start3A_128 : memref<128xi32, #tpu.memory_space<vmem>>) semaphore(%arg9 : memref<!tpu.dma_semaphore, #tpu.memory_space<semaphore_mem>>)
    %dma_wait3A_132 = arith.constant 0 : i32
    %dma_wait3A_133 = arith.constant 0 : i32
    %dma_wait3A_134 = tpu.memref_slice %arg5[%dma_wait3A_132, %dma_wait3A_133] : memref<50x128xi32, #tpu.memory_space<vmem>> -> memref<1x128xi32, #tpu.memory_space<vmem>>
    %dma_wait3A_135 = tpu.memref_squeeze %dma_wait3A_134 : memref<1x128xi32, #tpu.memory_space<vmem>> -> memref<128xi32, #tpu.memory_space<vmem>>
    %dma_wait3A_136 = arith.constant 0 : i32
    %dma_wait3A_137 = arith.constant 0 : i32
    %dma_wait3A_138 = tpu.memref_slice %arg3[%dma_wait3A_136, %dma_wait3A_137] : memref<100000x128xf32, #tpu.memory_space<hbm>> -> memref<100000x128xf32, #tpu.memory_space<hbm>>
    tpu.wait_indirect_dma semaphore(%arg8 : memref<!tpu.dma_semaphore, #tpu.memory_space<semaphore_mem>>) src(%dma_wait3A_138 : memref<100000x128xf32, #tpu.memory_space<hbm>>) dst(%arg6 : memref<128x128xf32, #tpu.memory_space<vmem>>)
    %add3A_139 = arith.constant 48 : i32
    %add3A_140 = arith.addi %mul3A_34, %add3A_139 : i32
    %dma_start3A_141 = arith.constant 0 : i32
    %dma_start3A_142 = arith.constant 0 : i32
    %dma_start3A_143 = tpu.memref_slice %arg4[%add3A_140, %select_n3A_9, %dma_start3A_141, %dma_start3A_142] : memref<200x8x128x128xf32, #tpu.memory_space<hbm>> -> memref<1x1x128x128xf32, #tpu.memory_space<hbm>>
    %dma_start3A_144 = tpu.memref_squeeze %dma_start3A_143 : memref<1x1x128x128xf32, #tpu.memory_space<hbm>> -> memref<128x128xf32, #tpu.memory_space<hbm>>
    %dma_start3A_145 = arith.constant 0 : i32
    %dma_start3A_146 = arith.constant 0 : i32
    %dma_start3A_147 = tpu.memref_slice %arg4[%add3A_140, %select_n3A_9, %dma_start3A_145, %dma_start3A_146] : memref<200x8x128x128xf32, #tpu.memory_space<hbm>> -> memref<1x1x128x128xf32, #tpu.memory_space<hbm>>
    %dma_start3A_148 = tpu.memref_squeeze %dma_start3A_147 : memref<1x1x128x128xf32, #tpu.memory_space<hbm>> -> memref<128x128xf32, #tpu.memory_space<hbm>>
    tpu.enqueue_dma source(%arg6 : memref<128x128xf32, #tpu.memory_space<vmem>>) target(%dma_start3A_148 : memref<128x128xf32, #tpu.memory_space<hbm>>) target_semaphore(%arg10 : memref<!tpu.dma_semaphore, #tpu.memory_space<semaphore_mem>>)
    %dma_wait3A_149 = arith.constant 0 : i32
    %dma_wait3A_150 = arith.constant 0 : i32
    %dma_wait3A_151 = arith.constant 0 : i32
    %dma_wait3A_152 = arith.constant 0 : i32
    %dma_wait3A_153 = tpu.memref_slice %arg4[%dma_wait3A_149, %dma_wait3A_150, %dma_wait3A_151, %dma_wait3A_152] : memref<200x8x128x128xf32, #tpu.memory_space<hbm>> -> memref<1x1x128x128xf32, #tpu.memory_space<hbm>>
    %dma_wait3A_154 = tpu.memref_squeeze %dma_wait3A_153 : memref<1x1x128x128xf32, #tpu.memory_space<hbm>> -> memref<128x128xf32, #tpu.memory_space<hbm>>
    %dma_wait3A_155 = arith.constant 0 : i32
    %dma_wait3A_156 = arith.constant 0 : i32
    %dma_wait3A_157 = tpu.memref_slice %arg4[%dma_wait3A_149, %dma_wait3A_150, %dma_wait3A_155, %dma_wait3A_156] : memref<200x8x128x128xf32, #tpu.memory_space<hbm>> -> memref<1x1x128x128xf32, #tpu.memory_space<hbm>>
    %dma_wait3A_158 = tpu.memref_squeeze %dma_wait3A_157 : memref<1x1x128x128xf32, #tpu.memory_space<hbm>> -> memref<128x128xf32, #tpu.memory_space<hbm>>
    tpu.wait_dma2 semaphore(%arg10 : memref<!tpu.dma_semaphore, #tpu.memory_space<semaphore_mem>>) src(%arg6 : memref<128x128xf32, #tpu.memory_space<vmem>>) dst(%dma_wait3A_158 : memref<128x128xf32, #tpu.memory_space<hbm>>)
    %dma_wait3A_159 = arith.constant 0 : i32
    %dma_wait3A_160 = arith.constant 0 : i32
    %dma_wait3A_161 = tpu.memref_slice %arg5[%dma_wait3A_159, %dma_wait3A_160] : memref<50x128xi32, #tpu.memory_space<vmem>> -> memref<1x128xi32, #tpu.memory_space<vmem>>
    %dma_wait3A_162 = tpu.memref_squeeze %dma_wait3A_161 : memref<1x128xi32, #tpu.memory_space<vmem>> -> memref<128xi32, #tpu.memory_space<vmem>>
    %dma_wait3A_163 = arith.constant 0 : i32
    %dma_wait3A_164 = arith.constant 0 : i32
    %dma_wait3A_165 = tpu.memref_slice %arg3[%dma_wait3A_163, %dma_wait3A_164] : memref<100000x128xf32, #tpu.memory_space<hbm>> -> memref<100000x128xf32, #tpu.memory_space<hbm>>
    tpu.wait_indirect_dma semaphore(%arg9 : memref<!tpu.dma_semaphore, #tpu.memory_space<semaphore_mem>>) src(%dma_wait3A_165 : memref<100000x128xf32, #tpu.memory_space<hbm>>) dst(%arg7 : memref<128x128xf32, #tpu.memory_space<vmem>>)
    %add3A_166 = arith.constant 49 : i32
    %add3A_167 = arith.addi %mul3A_34, %add3A_166 : i32
    %dma_start3A_168 = arith.constant 0 : i32
    %dma_start3A_169 = arith.constant 0 : i32
    %dma_start3A_170 = tpu.memref_slice %arg4[%add3A_167, %select_n3A_9, %dma_start3A_168, %dma_start3A_169] : memref<200x8x128x128xf32, #tpu.memory_space<hbm>> -> memref<1x1x128x128xf32, #tpu.memory_space<hbm>>
    %dma_start3A_171 = tpu.memref_squeeze %dma_start3A_170 : memref<1x1x128x128xf32, #tpu.memory_space<hbm>> -> memref<128x128xf32, #tpu.memory_space<hbm>>
    %dma_start3A_172 = arith.constant 0 : i32
    %dma_start3A_173 = arith.constant 0 : i32
    %dma_start3A_174 = tpu.memref_slice %arg4[%add3A_167, %select_n3A_9, %dma_start3A_172, %dma_start3A_173] : memref<200x8x128x128xf32, #tpu.memory_space<hbm>> -> memref<1x1x128x128xf32, #tpu.memory_space<hbm>>
    %dma_start3A_175 = tpu.memref_squeeze %dma_start3A_174 : memref<1x1x128x128xf32, #tpu.memory_space<hbm>> -> memref<128x128xf32, #tpu.memory_space<hbm>>
    tpu.enqueue_dma source(%arg7 : memref<128x128xf32, #tpu.memory_space<vmem>>) target(%dma_start3A_175 : memref<128x128xf32, #tpu.memory_space<hbm>>) target_semaphore(%arg11 : memref<!tpu.dma_semaphore, #tpu.memory_space<semaphore_mem>>)
    %dma_wait3A_176 = arith.constant 0 : i32
    %dma_wait3A_177 = arith.constant 0 : i32
    %dma_wait3A_178 = arith.constant 0 : i32
    %dma_wait3A_179 = arith.constant 0 : i32
    %dma_wait3A_180 = tpu.memref_slice %arg4[%dma_wait3A_176, %dma_wait3A_177, %dma_wait3A_178, %dma_wait3A_179] : memref<200x8x128x128xf32, #tpu.memory_space<hbm>> -> memref<1x1x128x128xf32, #tpu.memory_space<hbm>>
    %dma_wait3A_181 = tpu.memref_squeeze %dma_wait3A_180 : memref<1x1x128x128xf32, #tpu.memory_space<hbm>> -> memref<128x128xf32, #tpu.memory_space<hbm>>
    %dma_wait3A_182 = arith.constant 0 : i32
    %dma_wait3A_183 = arith.constant 0 : i32
    %dma_wait3A_184 = tpu.memref_slice %arg4[%dma_wait3A_176, %dma_wait3A_177, %dma_wait3A_182, %dma_wait3A_183] : memref<200x8x128x128xf32, #tpu.memory_space<hbm>> -> memref<1x1x128x128xf32, #tpu.memory_space<hbm>>
    %dma_wait3A_185 = tpu.memref_squeeze %dma_wait3A_184 : memref<1x1x128x128xf32, #tpu.memory_space<hbm>> -> memref<128x128xf32, #tpu.memory_space<hbm>>
    tpu.wait_dma2 semaphore(%arg11 : memref<!tpu.dma_semaphore, #tpu.memory_space<semaphore_mem>>) src(%arg7 : memref<128x128xf32, #tpu.memory_space<vmem>>) dst(%dma_wait3A_185 : memref<128x128xf32, #tpu.memory_space<hbm>>)
    return
  }
}

</mosaic_0001>

<sc_bundles>
// kernel: kernel.3.cloned.1.call-start
scs
__scs_entry_jumppad:
0x0: {  	(pc) =	sbr.rel $0x88, $3  }
0x1: {  	(tag) =	ssettag $0x0;
	lr =	simm.s32 $0x1  }
0x2: {  	[smem:$0x3F9E] =	sst lr;
	_ =	strace $0xD0000000  }
0x3: {  	_ = 	snop  }
0x4: {  	_ = 	snop  }
0x5: {  	_ = 	snop  }
0x6: {  	_ = 	snop  }
0x7: {  	_ = 	snop  }
__scs_overlays_trampoline_lowered:
0x8: {  	[smem:$0x3FAD] =	sst s0  }
0x9: {  	[smem:$0x3FAE] =	sst s1  }
0xa: {  	[smem:$0x3FAF] =	sst s2  }
0xb: {  	[smem:$0x3FB0] =	sst s3  }
0xc: {  	[smem:$0x3FB1] =	sst s4  }
0xd: {  	[smem:$0x3FB2] =	sst s5  }
0xe: {  	[smem:$0x3FB3] =	sst s6  }
0xf: {  	[smem:$0x3FB4] =	sst s7  }
0x10: {  	[smem:$0x3FB5] =	sst s8  }
0x11: {  	[smem:$0x3FB6] =	sst s9;
	s0 =	simm.s32 @!p0 $0x0  }
0x12: {  	s1 =	sld [smem:$0x3F9C];
	s0 =	simm.s32 @p0 $0x1  }
0x13: {  	[smem:$0x3FB7] =	sst s0;
	s0 =	simm.s32 @!p1 $0x0  }
0x14: {  	s2 =	sld [smem:$0x3F9B];
	s0 =	simm.s32 @p1 $0x1  }
0x15: {  	[smem:$0x3FB8] =	sst s0;
	s0 =	simm.s32 @!p2 $0x0  }
0x16: {  	s3 =	sld [smem:$0x3FDB];
	s0 =	simm.s32 @p2 $0x1  }
0x17: {  	s4 =	simm.s32 $0x1BF5;
	[smem:$0x3FBA] =	sst s0  }
0x18: {  	s0 =	sld [smem:$0x3F9D];
	_ =	swait.ge [sflag:s4], $0x0  }
0x19: {  	s7 =	sld [smem:$0x3F9E]  }
0x1a: {  	s8 =	sadd.s32 $0xFFFFE003, lr  }
0x1b: {  	s9 =	sadd.s32 $0xFFFFFEF7, lr;
	s5 =	simm.s32 $0xFFFFFFFF;
	p2 =	slt.u32 s8, $0xFFFFF086  }
0x1c: {  	p1 =	slt.u32 s9, $0xF7A;
	s5 =	simm.s32 @!p2 $0x0  }
0x1d: {  	s5 =	simm.s32 @p1 $0x1;
	p0 =	seq.s32 s7, s2  }
0x1e: {  	s7 =	smul.u32 @!p0 $0xF7A, s2;
	p2 =	seq.s32 @!p0 s5, $0x0  }
0x1f: {  	s9 =	smul.u32 $0xF7A, s1;
	s8 =	simm.s32 @!p0 $0x1BF5;
	p2 =	por !p2, p0  }
0x20: {  	[sflag:s8] =	ssyncset.s32 @!p0 $0xFFFFF086;
	s6 =	sadd.s32 @!p0 s3, s7;
	s7 =	simm.s32 @!p0 $0x108  }
0x21: {  	s3 =	sadd.s32 s3, s9;
	s6 =	sadd.s32 @!p0 $0x88, s6;
	s7 =	simm.s32 @p2 $0x1082  }
0x22: {  	[simem:s7], [sflag:s8] =	dma.local @!p0 [hbm:s6], $0xF7A  }
0x23: {  	s9 =	sor.u32 $0xD0000000, s2;
	s6 =	simm.s32 $0x108;
	_ =	swait.ge @!p0 [sflag:s8], $0x0  }
0x24: {  	s3 =	sadd.s32 $0x88, s3;
	s6 =	simm.s32 @!p1 $0x1082;
	[sflag:s4] =	ssyncset.s32 $0xFFFFF086  }
0x25: {  	[simem:s6], [sflag:s4] =	dma.local [hbm:s3], $0xF7A  }
0x26: {  	[smem:$0x3F9E] =	sst s1;
	(tag) =	ssettag s2;
	_ =	strace s9  }
0x27: {  	s1 =	sld [smem:$0x3FAE]  }
0x28: {  	s2 =	sld [smem:$0x3FAF]  }
0x29: {  	s4 =	sld [smem:$0x3FB1]  }
0x2a: {  	p0 =	seq.s32 s5, $0x0;
	s5 =	sld [smem:$0x3FB2]  }
0x2b: {  	s6 =	sld [smem:$0x3FB3]  }
0x2c: {  	s7 =	sld [smem:$0x3FB4]  }
0x2d: {  	s3 =	simm.s32 $0x108;
	s8 =	sld [smem:$0x3FB5]  }
0x2e: {  	s3 =	simm.s32 @!p0 $0x1082;
	s9 =	sld [smem:$0x3FB6]  }
0x2f: {  	lr =	sadd.s32 s0, s3;
	s0 =	sld [smem:$0x3FAD]  }
0x30: {  	s3 =	sld [smem:$0x3FB0]  }
0x31: {  	[smem:$0x3FB9] =	sst s10  }
0x32: {  	s10 =	sld [smem:$0x3FB7];
	_ =	sdelay $0x3  }
0x33: {  	p0 =	seq.s32 s10, $0x1;
	s10 =	sld [smem:$0x3FB9];
	_ =	sdelay $0x3  }
0x34: {  	[smem:$0x3FB9] =	sst s10  }
0x35: {  	s10 =	sld [smem:$0x3FB8];
	_ =	sdelay $0x3  }
0x36: {  	p1 =	seq.s32 s10, $0x1;
	s10 =	sld [smem:$0x3FB9];
	_ =	sdelay $0x3  }
0x37: {  	[smem:$0x3FB9] =	sst s10  }
0x38: {  	s10 =	sld [smem:$0x3FBA]  }
0x39: {  	_ = 	snop;
	(pc) =	sbr.ind lr, $3  }
0x3a: {  	_ = 	snop  }
0x3b: {  	_ = 	snop  }
0x3c: {  	p2 =	seq.s32 s10, $0x1;
	s10 =	sld [smem:$0x3FB9]  }
0x3d: {  	_ =	shalt  }
0x3e: {  	_ =	shalt  }
0x3f: {  	_ =	shalt  }
0x40: {  	_ =	shalt  }
0x41: {  	_ =	shalt  }
0x42: {  	_ =	shalt  }
0x43: {  	_ =	shalt  }
0x44: {  	_ =	shalt  }
0x45: {  	_ =	shalt  }
0x46: {  	_ =	shalt  }
0x47: {  	_ =	shalt  }
0x48: {  	_ =	shalt  }
0x49: {  	_ =	shalt  }
0x4a: {  	_ =	shalt  }
0x4b: {  	_ =	shalt  }
0x4c: {  	_ =	shalt  }
0x4d: {  	_ =	shalt  }
0x4e: {  	_ =	shalt  }
0x4f: {  	_ =	shalt  }
0x50: {  	_ =	shalt  }
0x51: {  	_ =	shalt  }
0x52: {  	_ =	shalt  }
0x53: {  	_ =	shalt  }
0x54: {  	_ =	shalt  }
0x55: {  	_ =	shalt  }
0x56: {  	_ =	shalt  }
0x57: {  	_ =	shalt  }
0x58: {  	_ =	shalt  }
0x59: {  	_ =	shalt  }
0x5a: {  	_ =	shalt  }
0x5b: {  	_ =	shalt  }
0x5c: {  	_ =	shalt  }
0x5d: {  	_ =	shalt  }
0x5e: {  	_ =	shalt  }
0x5f: {  	_ =	shalt  }
0x60: {  	_ =	shalt  }
0x61: {  	_ =	shalt  }
0x62: {  	_ =	shalt  }
0x63: {  	_ =	shalt  }
0x64: {  	_ =	shalt  }
0x65: {  	_ =	shalt  }
0x66: {  	_ =	shalt  }
0x67: {  	_ =	shalt  }
0x68: {  	_ =	shalt  }
0x69: {  	_ =	shalt  }
0x6a: {  	_ =	shalt  }
0x6b: {  	_ =	shalt  }
0x6c: {  	_ =	shalt  }
0x6d: {  	_ =	shalt  }
0x6e: {  	_ =	shalt  }
0x6f: {  	_ =	shalt  }
0x70: {  	_ =	shalt  }
0x71: {  	_ =	shalt  }
0x72: {  	_ =	shalt  }
0x73: {  	_ =	shalt  }
0x74: {  	_ =	shalt  }
0x75: {  	_ =	shalt  }
0x76: {  	_ =	shalt  }
0x77: {  	_ =	shalt  }
0x78: {  	_ =	shalt  }
0x79: {  	_ =	shalt  }
0x7a: {  	_ =	shalt  }
0x7b: {  	_ =	shalt  }
0x7c: {  	_ =	shalt  }
0x7d: {  	_ =	shalt  }
0x7e: {  	_ =	shalt  }
0x7f: {  	_ =	shalt  }
0x80: {  	_ =	shalt  }
0x81: {  	_ =	shalt  }
0x82: {  	_ =	shalt  }
0x83: {  	_ =	shalt  }
0x84: {  	_ =	shalt  }
0x85: {  	_ =	shalt  }
0x86: {  	_ =	shalt  }
0x87: {  	_ =	shalt  }
.Lfunc_end0:
.L_simem_size_0:
called_computation.1_lowered:
.L_overlay_start_0:
0x88: {  	s2 =	sld [smem:$0x3FD9]  }
0x89: {  	s3 =	sld [smem:$0x3FFE];
	_ =	sdelay $0x1  }
0x8a: {  	s1 =	srdreg.scid  }
0x8b: {  	s0 =	sand.u32 $0x1, s1  }
0x8c: {  	s18 =	sshll.u32 s0, $0xA;
	s2 =	sadd.s32 s3, s2  }
0x8d: {  	s2 =	sadd.s32 s2, s18  }
0x8e: {  	[smem:$0x3FC5] =	sst s2  }
0x8f: {  	_ = 	snop  }
0x90: {  	s2 =	sld [smem:$0x3FC9]  }
0x91: {  	s19 =	sld [smem:$0x3FC7]  }
0x92: {  	s4 =	sld [smem:$0x3FD0];
	(tm) =	ssettm $0x1  }
0x93: {  	s5 =	sld [smem:$0x3FFB];
	_ =	sdelay $0x3  }
0x94: {  	_ =	strace s5  }
0x95: {  	s5 =	sld [smem:$0x3FFC];
	_ =	sdelay $0x3  }
0x96: {  	_ =	strace s5  }
0x97: {  	s5 =	sld [smem:$0x3FFD];
	_ =	sdelay $0x3  }
0x98: {  	_ =	strace s5  }
0x99: {  	_ =	strace $0x8FFFFFFF  }
0x9a: {  	s20 =	sld [smem:$0x3FDB];
	_ =	sdelay $0x1  }
0x9b: {  	s6 =	simm.s32 $_scs_section_size  }
0x9c: {  	s7 =	simm.s32 $_size__tile_overlayer_lowered;
	s8 =	simm.s32 $_tile_overlayer_lowered  }
0x9d: {  	s23 =	simm.s32 $0x1BFF;
	s22 =	sshll.u32 s8, $0x1;
	s5 =	sadd.s32 s6, s20  }
0x9e: {  	s9 =	simm.s32 $0x0;
	s21 =	sshll.u32 s7, $0x1;
	s7 =	sadd.s32 s22, s5  }
0x9f: {  	[timem:s9], [sflag:s23] =	dma.local [hbm:s7], s21  }
0xa0: {  	_ =	swait.ge [sflag:s23], s21  }
0xa1: {  	s6 =	ssub.s32 $0x0, s21;
	[sflag:s23] =	ssyncset.done $0x0  }
0xa2: {  	[sflag:s23] =	ssyncadd.s32 s6;
	_ =	sdelay $0x1  }
0xa3: {  	s24 =	simm.s32 $0x1B8B  }
0xa4: {  	_ =	swait.ge [sflag:s24], $0x1  }
0xa5: {  	[sflag:s24] =	ssyncset.done $0x0  }
0xa6: {  	s25 =	simm.s32 $0x1B8E;
	[sflag:s24] =	ssyncadd.s32 $0xFFFFFFFF  }
0xa7: {  	s26 =	simm.s32 $execute0_lowered;
	[smem:$0x3FD2] =	sst s25  }
0xa8: {  	s6 =	sshll.u32 s26, $0x1;
	_ =	strace $0x80000046;
	[dreg:$0x1] =	wrdreg $0xFFFFFFFF  }
0xa9: {  	s28 =	simm.s32 $_size_execute0_lowered;
	s5 =	sadd.s32 s5, s6;
	[dreg:$0x0] =	wrdreg $0x0  }
0xaa: {  	s6 =	sshll.u32 s28, $0x1;
	[dreg:$0x2] =	wrdreg s5  }
0xab: {  	[dreg:$0x3] =	wrdreg s6  }
0xac: {  	[dreg:$0x4] =	wrdreg $0xC0  }
0xad: {  	_ =	task [dreg:s9], $0x5FFFF  }
0xae: {  	[dreg:$0x1] =	wrdreg $0xFFFFFFFF  }
0xaf: {  	[dreg:$0x0] =	wrdreg $0x60  }
0xb0: {  	[dreg:$0x2] =	wrdreg s2  }
0xb1: {  	[dreg:$0x3] =	wrdreg s19  }
0xb2: {  	[dreg:$0x4] =	wrdreg s4  }
0xb3: {  	[dreg:$0x5] =	wrdreg $0x9  }
0xb4: {  	_ =	task.clear_ibuf [dreg:s9], $0x6FFFF;
	_ =	strace $0x90000046  }
0xb5: {  	s29 =	simm.s32 $0x9;
	_ =	strace $0x80000048  }
0xb6: {  	_ =	swait.ge [sflag:s29], $0x1  }
0xb7: {  	[sflag:s29] =	ssyncadd.s32 $0xFFFFFFFF  }
0xb8: {  	_ =	strace $0x90000048  }
0xb9: {  	_ =	sfence  }
0xba: {  	s30 =	sld [smem:$0x0];
	_ =	sdelay $0x2  }
0xbb: {  	s31 =	sshll.u32 s1, $0xD;
	s1 =	sshrl.u32 s1, $0x2  }
0xbc: {  	s3 =	sand.u32 $0x4000, s31;
	s1 =	sadd.s32 s1, s30  }
0xbd: {  	s0 =	sor.u32 s3, s0;
	s1 =	sshll.u32 s1, $0x11  }
0xbe: {  	s0 =	sor.u32 s1, s0  }
0xbf: {  	s0 =	sadd.s32 $0x8F2B, s0  }
0xc0: {  	[sflag:s0] =	ssyncadd.remote.s32 $0x1  }
0xc1: {  	_ =	sfence.sel $0xFFFF  }
0xc2: {  	[dreg:$0x0] =	wrdreg $0xFFFFFFFF;
	(pc) =	sbr.abs _section_cstart, $3  }
0xc3: {  	[dreg:$0x1] =	wrdreg $0xFFFFFFFF  }
0xc4: {  	_ =	task.clear_ibuf [dreg:s9], $0x2FFFF;
	_ =	strace $0x9FFFFFFF  }
0xc5: {  	(tm) =	ssettm $0x7FFFFFFF  }
tec
execute0_lowered:
.L_overlay_start_1:
0x0: {  	(tag) =	ssettag $0x1  }
0x1: {  	s2 =	rddreg [dreg:$0x0]  }
0x2: {  	s3 =	rddreg [dreg:$0x1]  }
0x3: {  	s4 =	rddreg [dreg:$0x2]  }
0x4: {  	s1 =	stileid.u32;
	s5 =	srdreg.scid;
	s17 =	simm.s32 $0x80  }
0x5: {  	s18 =	simm.s32 $0x1C00;
	s19 =	simm.s32 $0x5C00;
	s20 =	simm.s32 $0x1  }
0x6: {  	s21 =	simm.s32 $0x3;
	s22 =	simm.s32 $0x100;
	s23 =	simm.s32 $0x2  }
0x7: {  	s24 =	simm.s32 $0x4;
	s6 =	sshll.u32 s1, $0x1;
	s10 =	sand.u32 $0x1, s5  }
0x8: {  	s13 =	sshrl.u32 s1, $0x2;
	s5 =	simm.s32 $0x0;
	s25 =	sand.u32 $0x3, s1  }
0x9: {  	s6 =	sand.u32 $0x6, s6;
	s11 =	smul.u32 $0x640000, s13;
	[smem:$0x7FF] =	sst s5  }
0xa: {  	s7 =	ssub.s32 $0x2, s10;
	s15 =	sshll.u32 s25, $0xF;
	s25 =	simm.s32 $0x1880  }
0xb: {  	s6 =	sor.u32 s10, s6;
	_ =	strace $0x80000047;
	s9 =	sshrl.u32 s7, $0x1  }
0xc: {  	s8 =	sshll.u32 s6, $0xE;
	s14 =	ssub.s32 s7, s9;
	s7 =	smul.u32 $0x32, s13  }
0xd: {  	s10 =	sshll.u32 s10, $0xE;
	s13 =	smul.u32 $0x320, s13;
	s12 =	sor.u32 s11, s8  }
0xe: {  	s11 =	sor.u32 s15, s11;
	s8 =	sshrl.u32 s12, $0x3;
	s26 =	sadd.s32 $0x600000, s12  }
0xf: {  	s12 =	sadd.s32 $0x620000, s12;
	s16 =	sor.u32 s10, s11;
	s8 =	sadd.s32 s4, s8  }
0x10: {  	s28 =	sshrl.u32 s26, $0x3;
	s29 =	sshrl.u32 s12, $0x3;
	s30 =	sadd.s32 $0x60000, s16  }
0x11: {  	s12 =	smax.u32 s14, $0x1;
	s15 =	sadd.s32 $0x40000, s16;
	s16 =	simm.s32 $0x5  }
0x12: {  	s26 =	simm.s32 $0x0;
	s9 =	sadd.s32 $0x4000, s8;
	s31 =	sshrl.u32 s30, $0x3  }
0x13: {  	s10 =	sadd.s32 s4, s28;
	s11 =	sadd.s32 s4, s29;
	s14 =	sadd.s32 s31, s4  }
.LBB2_1:
0x14: {  	s28 =	sadd.s32 $0x0, s7  }
0x15: {  	s28 =	sand.u32 $0x1F8, s28  }
0x16: {  	s29 =	sand.u32 $0x70, s13;
	s28 =	sor.u32 s6, s28  }
0x17: {  	s29 =	sadd.s32 s2, s29;
	s28 =	sshll.u32 s28, $0x7  }
0x18: {  	s28 =	sadd.s32 s28, s29  }
0x19: {  	[tilespmem:s5], [sflag:$0x5] =	stream.linear.gather [hbm4b:s28+s5], $0x80, $0x38;
	[tilespmem:$0x9C00] =	vst v63  }
0x1a: {  	s30 =	simm.s32 $0x0;
	s29 =	smov.u32 s13;
	s28 =	simm.s32 $0x1  }
.LBB2_2:
0x1b: {  	s31 =	sadd.s32 s28, s7;
	p0 =	sne.s32 s28, $0x31;
	s28 =	sadd.s32 $0x1, s28  }
.Ltmp0:
0x1c: {  	s29 =	sadd.s32 $0x10, s29;
	s31 =	sand.u32 $0x1F8, s31;
	(pc) =	sbr.rel @p0 .LBB2_2-.Ltmp0, $4  }
0x1d: {  	s0 =	sand.u32 $0x70, s29;
	s31 =	sor.u32 s6, s31  }
0x1e: {  	s0 =	sadd.s32 s2, s0;
	s31 =	sshll.u32 s31, $0x7  }
0x1f: {  	s30 =	sadd.s32 $0x80, s30;
	s0 =	sadd.s32 s31, s0  }
0x20: {  	[tilespmem:s30], [sflag:$0x5] =	stream.linear.gather [hbm4b:s0+s5], $0x80, $0x38;
	[tilespmem:$0x9C00] =	vst v63  }
0x21: {  	_ =	swait.ge [sflag:s16], $0x80  }
0x22: {  	s28 =	simm.s32 $0x31;
	[sflag:s16] =	ssyncset.done $0x0  }
.LBB2_4:
0x23: {  	p0 =	sne.s32 s28, $0x1;
	s28 =	sadd.s32 $0xFFFFFFFF, s28;
	[sflag:s16] =	ssyncadd.s32 $0xFFFFFF80  }
.Ltmp1:
0x24: {  	(pc) =	sbr.rel @p0 .LBB2_4-.Ltmp1, $3  }
0x25: {  	_ =	sdelay $0x1  }
0x26: {  	_ =	swait.ge [sflag:s16], $0x80  }
0x27: {  	[sflag:s16] =	ssyncset.done $0x0  }
0x28: {  	[sflag:s16] =	ssyncadd.s32 $0xFFFFFF80;
	s0 =	simm.s32 $0x0  }
0x29: {  	[tilespmem:s18], [sflag:$0x1] =	stream.indirect.gather [hbm4b:s3+s17], $0x80, s0, s17, $0xb8;
	[tilespmem:$0x9C00] =	vst v63  }
0x2a: {  	_ = 	snop  }
0x2b: {  	[tilespmem:s19], [sflag:$0x2] =	stream.indirect.gather [hbm4b:s3+s17], $0x80, s17, s17, $0xb8;
	[tilespmem:$0x9C00] =	vst v63  }
0x2c: {  	_ =	swait.ge [sflag:s20], $0x4000  }
0x2d: {  	[sflag:s20] =	ssyncset.done $0x0  }
0x2e: {  	[sflag:s20] =	ssyncadd.s32 $0xFFFFC000  }
0x2f: {  	[hbm4b:s8+s0] =	stream.linear.scatter [tilespmem:s18], [sflag:$0x3], $0x4000, $0x38;
	[tilespmem:$0x9C00] =	vst v63  }
0x30: {  	_ =	swait.ge [sflag:s21], $0x4000  }
0x31: {  	[sflag:s21] =	ssyncset.done $0x0  }
0x32: {  	[sflag:s21] =	ssyncadd.s32 $0xFFFFC000  }
0x33: {  	[tilespmem:s18], [sflag:$0x1] =	stream.indirect.gather [hbm4b:s3+s17], $0x80, s22, s17, $0xb8;
	[tilespmem:$0x9C00] =	vst v63  }
0x34: {  	_ =	swait.ge [sflag:s23], $0x4000  }
0x35: {  	[sflag:s23] =	ssyncset.done $0x0  }
0x36: {  	[sflag:s23] =	ssyncadd.s32 $0xFFFFC000  }
0x37: {  	[hbm4b:s9+s0] =	stream.linear.scatter [tilespmem:s19], [sflag:$0x4], $0x4000, $0x38;
	[tilespmem:$0x9C00] =	vst v63  }
0x38: {  	_ =	swait.ge [sflag:s24], $0x4000  }
0x39: {  	[sflag:s24] =	ssyncset.done $0x0  }
0x3a: {  	s0 =	simm.s32 $0x180;
	[sflag:s24] =	ssyncadd.s32 $0xFFFFC000  }
0x3b: {  	[tilespmem:s19], [sflag:$0x2] =	stream.indirect.gather [hbm4b:s3+s17], $0x80, s0, s17, $0xb8;
	[tilespmem:$0x9C00] =	vst v63  }
0x3c: {  	_ =	swait.ge [sflag:s20], $0x4000  }
0x3d: {  	s0 =	sshrl.u32 s15, $0x3;
	[sflag:s20] =	ssyncset.done $0x0  }
0x3e: {  	s0 =	sadd.s32 s4, s0;
	[sflag:s20] =	ssyncadd.s32 $0xFFFFC000  }
0x3f: {  	[hbm4b:s0+s5] =	stream.linear.scatter [tilespmem:s18], [sflag:$0x3], $0x4000, $0x38;
	[tilespmem:$0x9C00] =	vst v63  }
0x40: {  	_ =	swait.ge [sflag:s21], $0x4000  }
0x41: {  	[sflag:s21] =	ssyncset.done $0x0  }
0x42: {  	s0 =	simm.s32 $0x200;
	[sflag:s21] =	ssyncadd.s32 $0xFFFFC000  }
0x43: {  	[tilespmem:s18], [sflag:$0x1] =	stream.indirect.gather [hbm4b:s3+s17], $0x80, s0, s17, $0xb8;
	[tilespmem:$0x9C00] =	vst v63  }
0x44: {  	_ =	swait.ge [sflag:s23], $0x4000  }
0x45: {  	s28 =	simm.s32 $0x8000;
	s29 =	sadd.s32 $0x40000, s15;
	[sflag:s23] =	ssyncset.done $0x0  }
0x46: {  	s31 =	sadd.s32 $0x0, s14;
	s30 =	simm.s32 $0x300;
	[sflag:s23] =	ssyncadd.s32 $0xFFFFC000  }
.LBB2_6:
0x47: {  	[hbm4b:s31+s5] =	stream.linear.scatter [tilespmem:s19], [sflag:$0x4], $0x4000, $0x38;
	[tilespmem:$0x9C00] =	vst v63  }
0x48: {  	s0 =	smov.u32 s28  }
0x49: {  	p0 =	sne.s32 s28, $0xB0000;
	s28 =	sadd.s32 $0x8000, s28;
	_ =	swait.ge [sflag:s24], $0x4000  }
0x4a: {  	[sflag:s24] =	ssyncset.done $0x0  }
0x4b: {  	s31 =	sadd.s32 $0xFFFFFF80, s30;
	[sflag:s24] =	ssyncadd.s32 $0xFFFFC000  }
0x4c: {  	[tilespmem:s19], [sflag:$0x2] =	stream.indirect.gather [hbm4b:s3+s17], $0x80, s31, s17, $0xb8;
	[tilespmem:$0x9C00] =	vst v63  }
0x4d: {  	_ =	swait.ge [sflag:s20], $0x4000  }
0x4e: {  	s31 =	sshrl.u32 s29, $0x3;
	[sflag:s20] =	ssyncset.done $0x0  }
0x4f: {  	s31 =	sadd.s32 s4, s31;
	[sflag:s20] =	ssyncadd.s32 $0xFFFFC000  }
0x50: {  	[hbm4b:s31+s5] =	stream.linear.scatter [tilespmem:s18], [sflag:$0x3], $0x4000, $0x38;
	[tilespmem:$0x9C00] =	vst v63  }
0x51: {  	_ =	swait.ge [sflag:s21], $0x4000  }
0x52: {  	[sflag:s21] =	ssyncset.done $0x0  }
.Ltmp2:
0x53: {  	[sflag:s21] =	ssyncadd.s32 $0xFFFFC000;
	(pc) =	sbr.rel @p0 .LBB2_6-.Ltmp2, $4  }
0x54: {  	[tilespmem:s18], [sflag:$0x1] =	stream.indirect.gather [hbm4b:s3+s17], $0x80, s30, s17, $0xb8;
	[tilespmem:$0x9C00] =	vst v63  }
0x55: {  	_ =	swait.ge [sflag:s23], $0x4000  }
0x56: {  	s29 =	sadd.s32 $0x40000, s29;
	[sflag:s23] =	ssyncset.done $0x0  }
0x57: {  	s31 =	sadd.s32 s0, s14;
	s30 =	sadd.s32 $0x100, s30;
	[sflag:s23] =	ssyncadd.s32 $0xFFFFC000  }
0x58: {  	[hbm4b:s31+s5] =	stream.linear.scatter [tilespmem:s19], [sflag:$0x4], $0x4000, $0x38;
	[tilespmem:$0x9C00] =	vst v63  }
0x59: {  	_ =	swait.ge [sflag:s24], $0x4000  }
0x5a: {  	[sflag:s24] =	ssyncset.done $0x0  }
0x5b: {  	[sflag:s24] =	ssyncadd.s32 $0xFFFFC000  }
0x5c: {  	[tilespmem:s19], [sflag:$0x2] =	stream.indirect.gather [hbm4b:s3+s17], $0x80, s25, s17, $0xb8;
	[tilespmem:$0x9C00] =	vst v63  }
0x5d: {  	_ =	swait.ge [sflag:s20], $0x4000  }
0x5e: {  	[sflag:s20] =	ssyncset.done $0x0  }
0x5f: {  	[sflag:s20] =	ssyncadd.s32 $0xFFFFC000  }
0x60: {  	[hbm4b:s10+s5] =	stream.linear.scatter [tilespmem:s18], [sflag:$0x3], $0x4000, $0x38;
	[tilespmem:$0x9C00] =	vst v63  }
0x61: {  	_ =	swait.ge [sflag:s21], $0x4000  }
0x62: {  	[sflag:s21] =	ssyncset.done $0x0  }
0x63: {  	[sflag:s21] =	ssyncadd.s32 $0xFFFFC000  }
0x64: {  	s26 =	sadd.s32 $0x1, s26;
	_ =	swait.ge [sflag:s23], $0x4000  }
0x65: {  	p0 =	sne.s32 s26, s12;
	[sflag:s23] =	ssyncset.done $0x0  }
.Ltmp3:
0x66: {  	[sflag:s23] =	ssyncadd.s32 $0xFFFFC000;
	(pc) =	sbr.rel @p0 .LBB2_1-.Ltmp3, $4  }
0x67: {  	[hbm4b:s11+s5] =	stream.linear.scatter [tilespmem:s19], [sflag:$0x4], $0x4000, $0x38;
	[tilespmem:$0x9C00] =	vst v63  }
0x68: {  	_ =	swait.ge [sflag:s24], $0x4000  }
0x69: {  	[sflag:s24] =	ssyncset.done $0x0  }
0x6a: {  	[sflag:s24] =	ssyncadd.s32 $0xFFFFC000  }
0x6b: {  	_ =	sfence.sel $0x180000  }
0x6c: {  	[bflag:$0x0] =	sbarrier.arrive $0xFFFF  }
0x6d: {  	_ =	strace $0x90000047  }
0x6e: {  	[bflag:$0x2] =	sbarrier.arrive $0xFFFF  }
0x6f: {  	p0 =	sne.s32 s1, $0x0;
	s0 =	rddreg [dreg:$0x3]  }
0x70: {  	s0 =	sadd.s32 @!p0 $0x100000, s0  }
0x71: {  	[sflag:s0] =	ssyncadd.tile.s32 @!p0 $0x1;
	_ =	shalt  }
.Lfunc_end2:
_tile_overlayer_lowered:
.L_overlay_start_2:
0x72: {  	(tag) =	ssettag $0x2  }
0x73: {  	s0 =	rddreg [dreg:$0x0];
	s2 =	stileid.u32  }
0x74: {  	s1 =	rddreg [dreg:$0x1];
	p0 =	sne.s32 s2, $0x0  }
0x75: {  	s3 =	rddreg [dreg:$0x2];
	[bflag:$0x3] =	sbarrier.arrive $0xFFFF;
	s2 =	simm.s32 @!p0 $0x1C06  }
0x76: {  	[timem:s3], [sflag:s2] =	dma.local @!p0 [hbm:s0], s1  }
0x77: {  	s0 =	simm.s32 @!p0 $0x6  }
0x78: {  	_ =	swait.ge @!p0 [sflag:s0], s1  }
0x79: {  	s1 =	ssub.s32 @!p0 $0x0, s1;
	[sflag:s0] =	ssyncset.done @!p0 $0x0  }
0x7a: {  	[sflag:s0] =	ssyncadd.s32 @!p0 s1  }
0x7b: {  	[bflag:$0x3] =	sbarrier.arrive $0xFFFF  }
0x7c: {  	_ =	shalt  }

// kernel: sparse-core-data-format-call.cloned.1.call-start
scs
called_computation_lowered:
.L_overlay_start_0:
0x0: {  	s2 =	sld [smem:$0x3FD9]  }
0x1: {  	s3 =	sld [smem:$0x3FFE];
	_ =	sdelay $0x1  }
0x2: {  	s1 =	srdreg.scid  }
0x3: {  	s0 =	sand.u32 $0x1, s1  }
0x4: {  	s18 =	sshll.u32 s0, $0xA;
	s2 =	sadd.s32 s3, s2  }
0x5: {  	s2 =	sadd.s32 s2, s18  }
0x6: {  	[smem:$0x3FC5] =	sst s2  }
0x7: {  	_ = 	snop  }
0x8: {  	s2 =	sld [smem:$0x3FD0];
	(tm) =	ssettm $0x1  }
0x9: {  	s19 =	sld [smem:$0x3FFB];
	_ =	sdelay $0x3  }
0xa: {  	_ =	strace s19  }
0xb: {  	s3 =	sld [smem:$0x3FFC];
	_ =	sdelay $0x3  }
0xc: {  	_ =	strace s3  }
0xd: {  	s3 =	sld [smem:$0x3FFD];
	_ =	sdelay $0x3  }
0xe: {  	_ =	strace s3  }
0xf: {  	_ =	strace $0x8FFFFFFF  }
0x10: {  	s20 =	sld [smem:$0x3FDB];
	_ =	sdelay $0x1  }
0x11: {  	s4 =	simm.s32 $_scs_section_size  }
0x12: {  	s5 =	simm.s32 $_size__tile_overlayer_lowered;
	s6 =	simm.s32 $_tile_overlayer_lowered  }
0x13: {  	s23 =	simm.s32 $0x1BFF;
	s22 =	sshll.u32 s6, $0x1;
	s3 =	sadd.s32 s4, s20  }
0x14: {  	s7 =	simm.s32 $0x0;
	s21 =	sshll.u32 s5, $0x1;
	s5 =	sadd.s32 s22, s3  }
0x15: {  	[timem:s7], [sflag:s23] =	dma.local [hbm:s5], s21  }
0x16: {  	_ =	swait.ge [sflag:s23], s21  }
0x17: {  	s4 =	ssub.s32 $0x0, s21;
	[sflag:s23] =	ssyncset.done $0x0  }
0x18: {  	[sflag:s23] =	ssyncadd.s32 s4;
	_ =	sdelay $0x1  }
0x19: {  	s24 =	simm.s32 $0x1B8B  }
0x1a: {  	_ =	swait.ge [sflag:s24], $0x1  }
0x1b: {  	[sflag:s24] =	ssyncset.done $0x0  }
0x1c: {  	s26 =	simm.s32 $0x1B8E;
	s25 =	sld [smem:$0x3FFE];
	[sflag:s24] =	ssyncadd.s32 $0xFFFFFFFF  }
0x1d: {  	s27 =	simm.s32 $execute0_lowered;
	[smem:$0x3FD2] =	sst s26  }
0x1e: {  	s5 =	sshll.u32 s27, $0x1;
	_ =	strace $0x80000049;
	[dreg:$0x1] =	wrdreg $0xFFFFFFFF  }
0x1f: {  	s28 =	simm.s32 $_size_execute0_lowered;
	s3 =	sadd.s32 s3, s5;
	[dreg:$0x0] =	wrdreg $0x0  }
0x20: {  	s5 =	sshll.u32 s28, $0x1;
	[dreg:$0x2] =	wrdreg s3  }
0x21: {  	[dreg:$0x3] =	wrdreg s5  }
0x22: {  	[dreg:$0x4] =	wrdreg $0xC0  }
0x23: {  	_ =	task [dreg:s7], $0x5FFFF  }
0x24: {  	[dreg:$0x1] =	wrdreg $0xFFFFFFFF  }
0x25: {  	[dreg:$0x0] =	wrdreg $0x60  }
0x26: {  	[dreg:$0x2] =	wrdreg s2  }
0x27: {  	[dreg:$0x3] =	wrdreg s25  }
0x28: {  	[dreg:$0x4] =	wrdreg $0x9  }
0x29: {  	_ =	task.clear_ibuf [dreg:s7], $0x5FFFF;
	_ =	strace $0x90000049  }
0x2a: {  	s29 =	simm.s32 $0x9;
	_ =	strace $0x8000004B  }
0x2b: {  	_ =	swait.ge [sflag:s29], $0x1  }
0x2c: {  	[sflag:s29] =	ssyncadd.s32 $0xFFFFFFFF  }
0x2d: {  	_ =	strace $0x9000004B  }
0x2e: {  	_ =	sfence  }
0x2f: {  	s30 =	sld [smem:$0x0];
	_ =	sdelay $0x2  }
0x30: {  	s31 =	sshll.u32 s1, $0xD;
	s1 =	sshrl.u32 s1, $0x2  }
0x31: {  	s3 =	sand.u32 $0x4000, s31;
	s1 =	sadd.s32 s1, s30  }
0x32: {  	s0 =	sor.u32 s3, s0;
	s1 =	sshll.u32 s1, $0x11  }
0x33: {  	s0 =	sor.u32 s1, s0  }
0x34: {  	s0 =	sadd.s32 $0x8F2B, s0  }
0x35: {  	[sflag:s0] =	ssyncadd.remote.s32 $0x1  }
0x36: {  	_ =	sfence.sel $0xFFFF  }
0x37: {  	[dreg:$0x0] =	wrdreg $0xFFFFFFFF;
	(pc) =	sbr.abs _section_cstart, $3  }
0x38: {  	[dreg:$0x1] =	wrdreg $0xFFFFFFFF  }
0x39: {  	_ =	task.clear_ibuf [dreg:s7], $0x2FFFF;
	_ =	strace $0x9FFFFFFF  }
0x3a: {  	(tm) =	ssettm $0x7FFFFFFF  }
0x3b: {  	_ =	shalt  }
tec
execute0_lowered:
.L_overlay_start_1:
0x0: {  	(tag) =	ssettag $0x1  }
0x1: {  	s0 =	stileid.u32;
	s1 =	srdreg.scid  }
0x2: {  	s7 =	rddreg [dreg:$0x0];
	s2 =	sshll.u32 s0, $0x5;
	s1 =	sshll.u32 s1, $0x9  }
0x3: {  	s4 =	rddreg [dreg:$0x1];
	s5 =	simm.s32 $0x1;
	s1 =	sor.u32 s2, s1  }
0x4: {  	s8 =	simm.s32 $0x2;
	s13 =	simm.s32 $0x0;
	s2 =	sand.u32 $0x380, s1  }
0x5: {  	s10 =	simm.s32 $0x2000;
	s14 =	simm.s32 $0x0;
	s3 =	ssub.s32 $0x400, s2  }
0x6: {  	s12 =	simm.s32 $0x0;
	s1 =	rddreg [dreg:$0x2];
	s31 =	sand.u32 $0x380, s3  }
0x7: {  	_ =	strace $0x8000004A;
	s9 =	sshll.u32 s2, $0x4;
	p0 =	sne.s32 s31, $0x0  }
.Ltmp0:
0x8: {  	s6 =	sshrl.u32 s3, $0xA;
	s5 =	simm.s32 @!p0 $0x0;
	(pc) =	sbr.rel .LBB1_1-.Ltmp0, $4  }
0x9: {  	s3 =	sadd.s32 $0xA00, s4;
	s4 =	sand.u32 $0x3, s0;
	s6 =	sadd.s32 s5, s6  }
0xa: {  	s7 =	sadd.s32 s7, s9;
	s5 =	simm.s32 $0x1;
	s6 =	smul.u32 $0x32, s6  }
0xb: {  	s9 =	simm.s32 $0x400;
	s11 =	smov.u32 s4;
	[sflag:s5] =	ssyncpa.u1 $0x0  }
0xc: {  	p0 =	por $0x0, $0x0;
	[sflag:s8] =	ssyncpa.u1 $0x0;
	s8 =	sor.u32 $0x1, s6  }
.LBB1_4:
0xd: {  	v5 =	vld [tilespmem:s18+$0xFFFFFFD0];
	[tilespmem:s17+$0x2040 ss:$0x81] =	vst.msk $0xffff, v1  }
0xe: {  	v58 =	vld [tilespmem:s18+$0xFFFFFFE0];
	[tilespmem:s17+$0x2850 ss:$0x81] =	vst.msk $0xffff, v2  }
0xf: {  	s19 =	sshra.s32 s19, $0x2;
	v59 =	vld [tilespmem:s18+$0xFFFFFFF0];
	[tilespmem:s17+$0x3060 ss:$0x81] =	vst.msk $0xffff, v3  }
0x10: {  	v60 =	vld [tilespmem:s18+$0x0];
	[tilespmem:s17+$0x0 ss:$0x81] =	vst.msk $0xffff, v0;
	s16 =	sadd.s32 s19, s16  }
0x11: {  	v61 =	vld [tilespmem:s18+$0x10];
	[tilespmem:s16+$0x3870 ss:$0x81] =	vst.msk $0xffff, v4  }
0x12: {  	v62 =	vld [tilespmem:s18+$0x20];
	[tilespmem:s16+$0x810 ss:$0x81] =	vst.msk $0xffff, v5  }
0x13: {  	v63 =	vld [tilespmem:s18+$0xFFFFFFC0];
	[tilespmem:s16+$0x1020 ss:$0x81] =	vst.msk $0xffff, v58  }
0x14: {  	[tilespmem:s16+$0x1830 ss:$0x81] =	vst.msk $0xffff, v59  }
0x15: {  	[tilespmem:s16+$0x2040 ss:$0x81] =	vst.msk $0xffff, v60  }
0x16: {  	[tilespmem:s16+$0x2850 ss:$0x81] =	vst.msk $0xffff, v61  }
0x17: {  	s14 =	sshll.u32 s14, $0xE;
	s13 =	sadd.s32 s3, s13;
	[tilespmem:s16+$0x3060 ss:$0x81] =	vst.msk $0xffff, v62  }
0x18: {  	s13 =	sadd.s32 s14, s13;
	[tilespmem:s16+$0x0 ss:$0x81] =	vst.msk $0xffff, v63  }
0x19: {  	[hbm4b:s13+s9] =	stream.strided.scatter [tilespmem:s15], [sflag:$0x2], $0x4000, s10, s9, $0x20;
	[tilespmem:$0x10100] =	vst v63  }
.LBB1_5:
0x1a: {  	s15 =	sadd.s32 $0x4, s11  }
0x1b: {  	p2 =	sgt.s32 s15, $0xC7  }
0x1c: {  	s15 =	smov.u32 @p2 s4;
	p2 =	sne.s32 s12, s8  }
.Ltmp1:
0x1d: {  	p1 =	slt.u32 s12, $0x2;
	(pc) =	sbr.rel @!p2 .LBB1_6-.Ltmp1, $4  }
0x1e: {  	s13 =	simm.s32 @!p1 $0x2  }
0x1f: {  	s16 =	sadd.s32 $0x1, s12;
	s14 =	smov.u32 s11;
	_ =	swait.ge @!p1 [sflag:s13], $0x4000  }
0x20: {  	p0 =	por !p0, !p0;
	s12 =	smov.u32 s16;
	[sflag:s13] =	ssyncset.done @!p1 $0x0  }
0x21: {  	s11 =	smov.u32 s15;
	[sflag:s13] =	ssyncadd.s32 @!p1 $0xFFFFC000;
	s13 =	smov.u32 s2  }
.LBB1_1:
0x22: {  	p1 =	sge.u32 s12, s6  }
0x23: {  	s15 =	sxor.u32 @!p1 $0xFFFFFFFF, s12  }
0x24: {  	s31 =	sadd.s32 $0xFFFFFFFF, s12;
	s16 =	sshll.u32 @!p1 s11, $0xE;
	s15 =	sshll.u32 @!p1 s15, $0xE  }
0x25: {  	s17 =	simm.s32 @!p1 $0x0;
	s16 =	sadd.s32 @!p1 s16, s7;
	s15 =	sand.u32 @!p1 $0x4000, s15  }
0x26: {  	[tilespmem:s15], [sflag:$0x1] =	stream.linear.gather @!p1 [hbm4b:s16+s17], $0x4000, $0x38;
	[tilespmem:$0x10100] =	vst v63  }
0x27: {  	p1 =	sge.u32 s31, s6  }
.Ltmp2:
0x28: {  	_ = 	snop;
	(pc) =	sbr.rel @p1 .LBB1_5-.Ltmp2, $1  }
0x29: {  	_ =	sdelay $0x3  }
0x2a: {  	s15 =	simm.s32 $0x1  }
0x2b: {  	_ =	swait.ge [sflag:s5], $0x4000;
	s15 =	simm.s32 @!p0 $0x0  }
0x2c: {  	[sflag:s5] =	ssyncset.done $0x0;
	s16 =	sshll.u32 s15, $0xE  }
0x2d: {  	[sflag:s5] =	ssyncadd.s32 $0xFFFFC000;
	s18 =	sor.u32 $0x40, s16  }
0x2e: {  	s15 =	smul.u32 $0x10200, s15;
	v0 =	vld [tilespmem:s18+$0x30]  }
0x2f: {  	v3 =	vld [tilespmem:s18+$0xFFFFFFD0]  }
0x30: {  	s15 =	sshrl.u32 s15, $0x2;
	v4 =	vld [tilespmem:s18+$0xFFFFFFE0]  }
0x31: {  	v5 =	vld [tilespmem:s18+$0xFFFFFFF0];
	s16 =	sor.u32 $0x8000, s15  }
0x32: {  	s31 =	sand.u32 $0x1, s12;
	v1 =	vld [tilespmem:s18+$0x0];
	s17 =	sadd.s32 $0x0, s16  }
0x33: {  	v2 =	vld [tilespmem:s18+$0x10];
	s15 =	smul.u32 $0x10200, s31;
	[tilespmem:s17+$0x3870 ss:$0x81] =	vst.msk $0xffff, v0  }
0x34: {  	[tilespmem:s17+$0x810 ss:$0x81] =	vst.msk $0xffff, v3;
	v3 =	vld [tilespmem:s18+$0x20]  }
0x35: {  	s15 =	sshrl.u32 s15, $0x2;
	v0 =	vld [tilespmem:s18+$0xFFFFFFC0];
	[tilespmem:s17+$0x1020 ss:$0x81] =	vst.msk $0xffff, v4;
	s18 =	sadd.s32 $0x80, s18  }
0x36: {  	s19 =	simm.s32 $0x4;
	s20 =	simm.s32 $0x8;
	s15 =	sor.u32 $0x8000, s15;
	[tilespmem:s17+$0x1830 ss:$0x81] =	vst.msk $0xffff, v5;
	v4 =	vld [tilespmem:s18+$0x30]  }
.LBB1_3:
0x37: {  	p1 =	sne.s32 s20, $0x1FC;
	v5 =	vld [tilespmem:s18+$0xFFFFFFD0];
	[tilespmem:s17+$0x2040 ss:$0x81] =	vst.msk $0xffff, v1  }
0x38: {  	v6 =	vld [tilespmem:s18+$0xFFFFFFE0];
	[tilespmem:s17+$0x2850 ss:$0x81] =	vst.msk $0xffff, v2  }
0x39: {  	s21 =	sshra.s32 s19, $0x2;
	s19 =	smov.u32 s20;
	v7 =	vld [tilespmem:s18+$0xFFFFFFF0];
	[tilespmem:s17+$0x3060 ss:$0x81] =	vst.msk $0xffff, v3  }
.Ltmp3:
0x3a: {  	v1 =	vld [tilespmem:s18+$0x0];
	[tilespmem:s17+$0x0 ss:$0x81] =	vst.msk $0xffff, v0;
	s17 =	sadd.s32 s21, s16;
	(pc) =	sbr.rel @p1 .LBB1_3-.Ltmp3, $4  }
0x3b: {  	v2 =	vld [tilespmem:s18+$0x10];
	[tilespmem:s17+$0x3870 ss:$0x81] =	vst.msk $0xffff, v4  }
0x3c: {  	[tilespmem:s17+$0x810 ss:$0x81] =	vst.msk $0xffff, v5;
	v3 =	vld [tilespmem:s18+$0x20]  }
0x3d: {  	v0 =	vld [tilespmem:s18+$0xFFFFFFC0];
	[tilespmem:s17+$0x1020 ss:$0x81] =	vst.msk $0xffff, v6;
	s18 =	sadd.s32 $0x80, s18  }
0x3e: {  	s20 =	sadd.s32 $0x4, s20;
	v4 =	vld [tilespmem:s18+$0x30];
	[tilespmem:s17+$0x1830 ss:$0x81] =	vst.msk $0xffff, v7  }
.Ltmp4:
0x3f: {  	_ = 	snop;
	(pc) =	sbr.rel .LBB1_4-.Ltmp4, $1  }
0x40: {  	_ =	sdelay $0x3  }
.LBB1_6:
0x41: {  	_ =	sfence.sel $0x180000  }
0x42: {  	s2 =	simm.s32 $0x1;
	[bflag:$0x0] =	sbarrier.arrive $0xFFFF  }
0x43: {  	s31 =	simm.s32 $0x2;
	[sflag:s2] =	ssyncpa.u1 $0x1  }
0x44: {  	[sflag:s31] =	ssyncpa.u1 $0x1  }
0x45: {  	p0 =	sne.s32 s0, $0x0;
	_ =	strace $0x9000004A  }
0x46: {  	s0 =	sadd.s32 @!p0 $0x100000, s1;
	[bflag:$0x2] =	sbarrier.arrive $0xFFFF  }
0x47: {  	[sflag:s0] =	ssyncadd.tile.s32 @!p0 $0x1;
	_ =	shalt  }
.Lfunc_end1:
_tile_overlayer_lowered:
.L_overlay_start_2:
0x48: {  	(tag) =	ssettag $0x2  }
0x49: {  	s0 =	rddreg [dreg:$0x0];
	s2 =	stileid.u32  }
0x4a: {  	s1 =	rddreg [dreg:$0x1];
	p0 =	sne.s32 s2, $0x0  }
0x4b: {  	s3 =	rddreg [dreg:$0x2];
	[bflag:$0x3] =	sbarrier.arrive $0xFFFF;
	s2 =	simm.s32 @!p0 $0x1C01  }
0x4c: {  	[timem:s3], [sflag:s2] =	dma.local @!p0 [hbm:s0], s1  }
0x4d: {  	s0 =	simm.s32 @!p0 $0x1  }
0x4e: {  	_ =	swait.ge @!p0 [sflag:s0], s1  }
0x4f: {  	s1 =	ssub.s32 @!p0 $0x0, s1;
	[sflag:s0] =	ssyncset.done @!p0 $0x0  }
0x50: {  	[sflag:s0] =	ssyncadd.s32 @!p0 s1  }
0x51: {  	[bflag:$0x3] =	sbarrier.arrive $0xFFFF  }
0x52: {  	_ =	shalt  }

</sc_bundles>
